<compile_context>
chip_gen: v7x
topology: tpu7x:2x2x1
jax: 0.10.2.dev20260603
libtpu: 0.0.44.dev20260713+nightly
codegen_flags: <defaults>
</compile_context>

<pallas_src>
import functools

import jax
import jax.numpy as jnp
from jax import lax
from jax.experimental import pallas as pl
from jax.experimental.pallas import tpu as pltpu
from jax.experimental.pallas import tpu_sc as plsc

_NC = 2
_NS = 16
_NW = _NC * _NS
_CH = 128
_IB = 20


def _sc_mesh():
  return plsc.VectorSubcoreMesh(core_axis_name="c", subcore_axis_name="s",
                                num_cores=_NC, num_subcores=_NS)


def _sc_segment_sum_wide(edges3d, feat_a, feat_b, zeros, n_pad, f, k_t,
                         interpret=False):
  rpt = n_pad // _NS
  nb = k_t // _IB
  p2 = _IB // 2

  def body(edge_hbm, feat_a_hbm, feat_b_hbm, zero_hbm, out_hbm,
           feat_sh, acc_sh, sidx, didx, rows_a, rows_b, sem_a, sem_b):
    c = lax.axis_index("c")
    s = lax.axis_index("s")
    sl = pl.ds(s * rpt, rpt)

    @pl.when(c == 0)
    def _():
      pltpu.sync_copy(feat_a_hbm.at[sl], feat_sh.at[sl])

    @pl.when(c == 1)
    def _():
      pltpu.sync_copy(feat_b_hbm.at[sl], feat_sh.at[sl])

    pltpu.sync_copy(zero_hbm.at[sl], acc_sh.at[sl])
    plsc.subcore_barrier()

    def block(b, carry):
      base = s * k_t + b * _IB
      pltpu.sync_copy(edge_hbm.at[0, pl.ds(base, _IB)], sidx)
      pltpu.sync_copy(edge_hbm.at[1, pl.ds(base, _IB)], didx)
      pltpu.async_copy(feat_sh.at[sidx.at[0]], rows_a, sem_a)

      def pair(jj, carry2):
        j0 = 2 * jj
        j1 = j0 + 1
        pltpu.async_copy(feat_sh.at[sidx.at[j1]], rows_b, sem_b)
        pltpu.make_async_copy(feat_sh.at[sidx.at[j0]], rows_a, sem_a).wait()
        pltpu.sync_copy(rows_a, acc_sh.at[didx.at[j0]], add=True)

        @pl.when(jj + 1 < p2)
        def _():
          pltpu.async_copy(feat_sh.at[sidx.at[j0 + 2]], rows_a, sem_a)

        pltpu.make_async_copy(feat_sh.at[sidx.at[j1]], rows_b, sem_b).wait()
        pltpu.sync_copy(rows_b, acc_sh.at[didx.at[j1]], add=True)
        return carry2

      lax.fori_loop(0, p2, pair, 0)
      return carry

    lax.fori_loop(0, nb, block, 0)
    plsc.subcore_barrier()
    pltpu.sync_copy(acc_sh.at[sl], out_hbm.at[c, sl])

  run = pl.kernel(
      body,
      out_type=jax.ShapeDtypeStruct((_NC, n_pad, f), jnp.bfloat16),
      mesh=_sc_mesh(),
      scratch_types=[
          pltpu.VMEM_SHARED((n_pad, f), jnp.bfloat16),
          pltpu.VMEM_SHARED((n_pad, f), jnp.bfloat16),
          pltpu.VMEM((_IB, _CH), jnp.int32),
          pltpu.VMEM((_IB, _CH), jnp.int32),
          pltpu.VMEM((_CH, f), jnp.bfloat16),
          pltpu.VMEM((_CH, f), jnp.bfloat16),
          pltpu.SemaphoreType.DMA,
          pltpu.SemaphoreType.DMA,
      ],
      compiler_params=pltpu.CompilerParams(use_tc_tiling_on_sc=False),
      interpret=interpret,
  )
  return run(edges3d, feat_a, feat_b, zeros)


def _sc_segment_sum_narrow(edges3d, feat, zeros, n_pad, f, k,
                           interpret=False):
  rpt = n_pad // _NS

  def body(edge_hbm, feat_hbm, zero_hbm, out_hbm,
           feat_sh, acc_sh, sidx, didx, rows_a, rows_b, sem_a, sem_b):
    c = lax.axis_index("c")
    s = lax.axis_index("s")
    wid = c * _NS + s
    sl = pl.ds(s * rpt, rpt)
    pltpu.sync_copy(feat_hbm.at[sl], feat_sh.at[sl])
    pltpu.sync_copy(zero_hbm.at[sl], acc_sh.at[sl])
    pltpu.sync_copy(edge_hbm.at[0, pl.ds(wid * k, k)], sidx)
    pltpu.sync_copy(edge_hbm.at[1, pl.ds(wid * k, k)], didx)
    plsc.subcore_barrier()

    pltpu.async_copy(feat_sh.at[sidx.at[0]], rows_a, sem_a)
    k2 = k // 2

    def step2(jj, carry):
      j0 = 2 * jj
      j1 = j0 + 1
      pltpu.async_copy(feat_sh.at[sidx.at[j1]], rows_b, sem_b)
      pltpu.make_async_copy(feat_sh.at[sidx.at[j0]], rows_a, sem_a).wait()
      pltpu.sync_copy(rows_a, acc_sh.at[didx.at[j0]], add=True)

      @pl.when(jj + 1 < k2)
      def _():
        pltpu.async_copy(feat_sh.at[sidx.at[j0 + 2]], rows_a, sem_a)

      pltpu.make_async_copy(feat_sh.at[sidx.at[j1]], rows_b, sem_b).wait()
      pltpu.sync_copy(rows_b, acc_sh.at[didx.at[j1]], add=True)
      return carry

    lax.fori_loop(0, k2, step2, 0)
    plsc.subcore_barrier()
    pltpu.sync_copy(acc_sh.at[sl], out_hbm.at[c, sl])

  run = pl.kernel(
      body,
      out_type=jax.ShapeDtypeStruct((_NC, n_pad, f), jnp.float32),
      mesh=_sc_mesh(),
      scratch_types=[
          pltpu.VMEM_SHARED((n_pad, f), jnp.float32),
          pltpu.VMEM_SHARED((n_pad, f), jnp.float32),
          pltpu.VMEM((k, _CH), jnp.int32),
          pltpu.VMEM((k, _CH), jnp.int32),
          pltpu.VMEM((_CH, f), jnp.float32),
          pltpu.VMEM((_CH, f), jnp.float32),
          pltpu.SemaphoreType.DMA,
          pltpu.SemaphoreType.DMA,
      ],
      compiler_params=pltpu.CompilerParams(use_tc_tiling_on_sc=False),
      interpret=interpret,
  )
  return run(edges3d, feat, zeros)


def _tc1(x, w1n, w1r, b1, w2n, w2r, wcp, b2, bcp, n_pad, fh, bn,
         interpret=False):
  n, d = x.shape
  dh = d // 2

  def body(x_ref, w1n_ref, w1r_ref, b1_ref, w2n_ref, w2r_ref, wcp_ref,
           b2_ref, bcp_ref, fa_ref, fb_ref, r1_ref, w2nc_ref, w2rc_ref,
           bc2_ref):
    xb = x_ref[...]
    p = jnp.dot(xb, w1n_ref[...], preferred_element_type=jnp.float32)
    ones = jnp.ones((bn, 1), jnp.float32)
    zer = jnp.zeros((bn, fh - dh - 1), jnp.float32)
    fa_ref[...] = jnp.concatenate(
        [p[:, :dh], ones, zer], axis=1).astype(jnp.bfloat16)
    fb_ref[...] = jnp.concatenate(
        [p[:, dh:], ones, zer], axis=1).astype(jnp.bfloat16)
    r1_ref[...] = (jnp.dot(xb, w1r_ref[...], preferred_element_type=jnp.float32)
                   + b1_ref[...])
    w2nc_ref[...] = jnp.dot(w2n_ref[...], wcp_ref[...],
                            preferred_element_type=jnp.float32)
    w2rc_ref[...] = jnp.dot(w2r_ref[...], wcp_ref[...],
                            preferred_element_type=jnp.float32)
    bc2_ref[...] = jnp.dot(b2_ref[...], wcp_ref[...],
                           preferred_element_type=jnp.float32) + bcp_ref[...]

  return pl.pallas_call(
      body,
      grid=(n // bn,),
      in_specs=[
          pl.BlockSpec((bn, d), lambda i: (i, 0)),
          pl.BlockSpec((d, d), lambda i: (0, 0)),
          pl.BlockSpec((d, d), lambda i: (0, 0)),
          pl.BlockSpec((1, d), lambda i: (0, 0)),
          pl.BlockSpec((d, d), lambda i: (0, 0)),
          pl.BlockSpec((d, d), lambda i: (0, 0)),
          pl.BlockSpec((d, 16), lambda i: (0, 0)),
          pl.BlockSpec((1, d), lambda i: (0, 0)),
          pl.BlockSpec((1, 16), lambda i: (0, 0)),
      ],
      out_specs=[
          pl.BlockSpec((bn, fh), lambda i: (i, 0)),
          pl.BlockSpec((bn, fh), lambda i: (i, 0)),
          pl.BlockSpec((bn, d), lambda i: (i, 0)),
          pl.BlockSpec((d, 16), lambda i: (0, 0)),
          pl.BlockSpec((d, 16), lambda i: (0, 0)),
          pl.BlockSpec((1, 16), lambda i: (0, 0)),
      ],
      out_shape=[
          jax.ShapeDtypeStruct((n_pad, fh), jnp.bfloat16),
          jax.ShapeDtypeStruct((n_pad, fh), jnp.bfloat16),
          jax.ShapeDtypeStruct((n, d), jnp.float32),
          jax.ShapeDtypeStruct((d, 16), jnp.float32),
          jax.ShapeDtypeStruct((d, 16), jnp.float32),
          jax.ShapeDtypeStruct((1, 16), jnp.float32),
      ],
      interpret=interpret,
  )(x, w1n, w1r, b1.reshape(1, d), w2n, w2r, wcp, b2.reshape(1, d),
    bcp.reshape(1, 16))


def _tc2(agg1, r1, w2nc, w2rc, bc2, bn, interpret=False):
  _, n_pad, fh = agg1.shape
  n, d = r1.shape
  dh = d // 2

  def body(agg_ref, r1_ref, w2nc_ref, w2rc_ref, bc2_ref,
           q_ref, r2_ref, invd_ref):
    lo = agg_ref[0].astype(jnp.float32)
    hi = agg_ref[1].astype(jnp.float32)
    deg = lo[:, dh:dh + 1]
    invd = 1.0 / jnp.maximum(deg, 1.0)
    agg = jnp.concatenate([lo[:, :dh], hi[:, :dh]], axis=1)
    h1 = jnp.maximum(agg * invd + r1_ref[...], 0.0)
    q_ref[...] = jnp.dot(h1, w2nc_ref[...], preferred_element_type=jnp.float32)
    r2_ref[...] = (jnp.dot(h1, w2rc_ref[...],
                           preferred_element_type=jnp.float32) + bc2_ref[...])
    invd_ref[...] = invd

  return pl.pallas_call(
      body,
      grid=(n // bn,),
      in_specs=[
          pl.BlockSpec((2, bn, fh), lambda i: (0, i, 0)),
          pl.BlockSpec((bn, d), lambda i: (i, 0)),
          pl.BlockSpec((d, 16), lambda i: (0, 0)),
          pl.BlockSpec((d, 16), lambda i: (0, 0)),
          pl.BlockSpec((1, 16), lambda i: (0, 0)),
      ],
      out_specs=[
          pl.BlockSpec((bn, 16), lambda i: (i, 0)),
          pl.BlockSpec((bn, 16), lambda i: (i, 0)),
          pl.BlockSpec((bn, 1), lambda i: (i, 0)),
      ],
      out_shape=[
          jax.ShapeDtypeStruct((n_pad, 16), jnp.float32),
          jax.ShapeDtypeStruct((n, 16), jnp.float32),
          jax.ShapeDtypeStruct((n, 1), jnp.float32),
      ],
      interpret=interpret,
  )(agg1, r1, w2nc, w2rc, bc2)


def _tc3(agg2, r2, invd, c_out, bn, interpret=False):
  _, n_pad, f2 = agg2.shape
  n = r2.shape[0]

  def body(agg_ref, r2_ref, invd_ref, out_ref):
    v = (agg_ref[0] + agg_ref[1]) * invd_ref[...] + r2_ref[...]
    out_ref[...] = v[:, :c_out]

  return pl.pallas_call(
      body,
      grid=(n // bn,),
      in_specs=[
          pl.BlockSpec((2, bn, f2), lambda i: (0, i, 0)),
          pl.BlockSpec((bn, 16), lambda i: (i, 0)),
          pl.BlockSpec((bn, 1), lambda i: (i, 0)),
      ],
      out_specs=pl.BlockSpec((bn, c_out), lambda i: (i, 0)),
      out_shape=jax.ShapeDtypeStruct((n, c_out), jnp.float32),
      interpret=interpret,
  )(agg2, r2, invd)


def _impl(x, edge_index, w1_neigh, w1_root, b1, w2_neigh, w2_root, b2, wc, bc,
          interpret=False):
  n, d = x.shape
  e = edge_index.shape[1]
  c_out = wc.shape[1]
  dh = d // 2
  fh = dh + 32

  chunk = _NS * _IB * _CH
  e_pad = -(-e // chunk) * chunk
  k_t = e_pad // (_NS * _CH)
  k = e_pad // (_NW * _CH)
  n_pad = -(-(n + 1) // (_NS * 8)) * (_NS * 8)

  edges3d = jnp.pad(edge_index, ((0, 0), (0, e_pad - e)),
                    constant_values=n).reshape(2, _NS * k_t, _CH)
  wcp = jnp.pad(wc, ((0, 0), (0, 16 - c_out)))
  bcp = jnp.pad(bc, (0, 16 - c_out))

  bn = 2000 if n % 2000 == 0 else (400 if n % 400 == 0 else 8 * (n // 8))

  feat_a, feat_b, r1, w2nc, w2rc, bc2 = _tc1(
      x, w1_neigh, w1_root, b1, w2_neigh, w2_root, wcp, b2, bcp,
      n_pad, fh, bn, interpret)
  agg1 = _sc_segment_sum_wide(edges3d, feat_a, feat_b,
                              jnp.zeros((n_pad, fh), jnp.bfloat16),
                              n_pad, fh, k_t, interpret)
  q, r2, invd = _tc2(agg1, r1, w2nc, w2rc, bc2, bn, interpret)
  agg2 = _sc_segment_sum_narrow(edges3d, q,
                                jnp.zeros((n_pad, 16), jnp.float32),
                                n_pad, 16, k, interpret)
  return _tc3(agg2, r2, invd, c_out, bn, interpret)


def kernel(x, edge_index, w1_neigh, w1_root, b1, w2_neigh, w2_root, b2, wc, bc):
  return _impl(x, edge_index, w1_neigh, w1_root, b1,
               w2_neigh, w2_root, b2, wc, bc)

# --- scband reference (transcript-rebuilt; emitter-appended) ---
"""Pipeline reference for scband-graph-ciw-27462020890936 (READ-ONLY COPY).

The authoritative reference and input builder live on the scoring server;
editing this copy changes nothing except your own understanding.
"""

import jax, jax.numpy as jnp
import numpy as np

N = 10000
E = 320000
D_IN = 128
D = 128
C = 10


def _glorot(key, shape):
    fan_in, fan_out = shape[0], shape[1]
    lim = jnp.sqrt(6.0 / (fan_in + fan_out))
    return jax.random.uniform(key, shape, jnp.float32, -lim, lim)


def setup_inputs(seed: int = 0) -> dict:
    key = jax.random.key(seed)
    ks = jax.random.split(key, 12)
    x = jax.random.normal(ks[0], (N, D_IN), jnp.float32)
    edge_index = jax.random.randint(ks[1], (2, E), 0, N, dtype=jnp.int32)
    # SAGEConv1 params (mean aggregation, root weight, bias)
    w1_neigh = _glorot(ks[2], (D_IN, D))
    w1_root = _glorot(ks[3], (D_IN, D))
    b1 = jnp.zeros((D,), jnp.float32)
    # SAGEConv2 params
    w2_neigh = _glorot(ks[4], (D, D))
    w2_root = _glorot(ks[5], (D, D))
    b2 = jnp.zeros((D,), jnp.float32)
    # classifier
    wc = _glorot(ks[6], (D, C))
    bc = jnp.zeros((C,), jnp.float32)
    return {
        "x": x,
        "edge_index": edge_index,
        "w1_neigh": w1_neigh, "w1_root": w1_root, "b1": b1,
        "w2_neigh": w2_neigh, "w2_root": w2_root, "b2": b2,
        "wc": wc, "bc": bc,
    }


def _sage_conv(h, edge_index, w_neigh, w_root, b):
    src = edge_index[0]
    dst = edge_index[1]
    msgs = jnp.take(h, src, axis=0)  # gather source node features [E, d]
    agg = jax.ops.segment_sum(msgs, dst, num_segments=N)
    deg = jax.ops.segment_sum(jnp.ones((msgs.shape[0], 1), jnp.float32), dst, num_segments=N)
    mean_agg = agg / jnp.maximum(deg, 1.0)
    return mean_agg @ w_neigh + h @ w_root + b


def reference(x, edge_index, w1_neigh, w1_root, b1, w2_neigh, w2_root, b2, wc, bc):
    h = _sage_conv(x, edge_index, w1_neigh, w1_root, b1)
    h = jax.nn.relu(h)
    h = _sage_conv(h, edge_index, w2_neigh, w2_root, b2)
    logits = h @ wc + bc
    return logits

if __name__ == "__main__":
    import jax
    _d = setup_inputs()
    print(jax.jit(kernel)(*tuple(_d.values())))

</pallas_src>

<mosaic_0001>
#map = affine_map<(d0, d1) -> (0, 0, 0)>
#map1 = affine_map<(d0, d1) -> (0, 0)>
module attributes {stable_mosaic.version = 14 : i64} {
  func.func @body(%arg0: i32, %arg1: i32, %arg2: memref<2x2560x128xi32, #tpu.memory_space<hbm>>, %arg3: memref<10112x96xbf16, #tpu.memory_space<hbm>>, %arg4: memref<10112x96xbf16, #tpu.memory_space<hbm>>, %arg5: memref<10112x96xbf16, #tpu.memory_space<hbm>>, %arg6: memref<2x10112x96xbf16, #tpu.memory_space<hbm>>, %arg7: memref<10112x96xbf16, #tpu.memory_space<vmem_shared>>, %arg8: memref<10112x96xbf16, #tpu.memory_space<vmem_shared>>, %arg9: memref<20x128xi32, #tpu.memory_space<vmem>>, %arg10: memref<20x128xi32, #tpu.memory_space<vmem>>, %arg11: memref<128x96xbf16, #tpu.memory_space<vmem>>, %arg12: memref<128x96xbf16, #tpu.memory_space<vmem>>, %arg13: memref<!tpu.dma_semaphore, #tpu.memory_space<semaphore_mem>>, %arg14: memref<!tpu.dma_semaphore, #tpu.memory_space<semaphore_mem>>) attributes {dimension_semantics = [#tpu.dimension_semantics<core_parallel>, #tpu.dimension_semantics<subcore_parallel>], iteration_bounds = array<i64: 2, 16>, scalar_prefetch = 0 : i64, scratch_operands = 8 : i64, tpu.core_type = #tpu.core_type<sc_vector_subcore>, window_params = [{transform_indices = #map}, {transform_indices = #map1}, {transform_indices = #map1}, {transform_indices = #map1}, {transform_indices = #map}]} {
    %mul3A = arith.constant 632 : i32
    %mul3A_0 = arith.muli %arg1, %mul3A : i32
    %eq3A = arith.constant 0 : i32
    %eq3A_1 = arith.cmpi eq, %arg0, %eq3A : i32
    %convert_element_type3A = arith.extui %eq3A_1 : i1 to i32
    %cond3A = arith.constant 0 : i32
    %cond3A_2 = arith.cmpi ne, %convert_element_type3A, %cond3A : i32
    scf.if %cond3A_2 {
      "tpu.region"() ({
        %run_scoped3A = tpu.sem_alloc : memref<!tpu.dma_semaphore, #tpu.memory_space<semaphore_mem>>
        %dma_start3A = arith.constant 0 : i32
        %dma_start3A_14 = tpu.memref_slice %arg7[%mul3A_0, %dma_start3A] : memref<10112x96xbf16, #tpu.memory_space<vmem_shared>> -> memref<632x96xbf16, #tpu.memory_space<vmem_shared>>
        %dma_start3A_15 = arith.constant 0 : i32
        %dma_start3A_16 = tpu.memref_slice %arg3[%mul3A_0, %dma_start3A_15] : memref<10112x96xbf16, #tpu.memory_space<hbm>> -> memref<632x96xbf16, #tpu.memory_space<hbm>>
        tpu.enqueue_dma source(%dma_start3A_16 : memref<632x96xbf16, #tpu.memory_space<hbm>>) target(%dma_start3A_14 : memref<632x96xbf16, #tpu.memory_space<vmem_shared>>) target_semaphore(%run_scoped3A : memref<!tpu.dma_semaphore, #tpu.memory_space<semaphore_mem>>)
        %dma_wait3A = arith.constant 0 : i32
        %dma_wait3A_17 = tpu.memref_slice %arg7[%mul3A_0, %dma_wait3A] : memref<10112x96xbf16, #tpu.memory_space<vmem_shared>> -> memref<632x96xbf16, #tpu.memory_space<vmem_shared>>
        %dma_wait3A_18 = arith.constant 0 : i32
        %dma_wait3A_19 = tpu.memref_slice %arg3[%mul3A_0, %dma_wait3A_18] : memref<10112x96xbf16, #tpu.memory_space<hbm>> -> memref<632x96xbf16, #tpu.memory_space<hbm>>
        tpu.wait_dma2 semaphore(%run_scoped3A : memref<!tpu.dma_semaphore, #tpu.memory_space<semaphore_mem>>) src(%dma_wait3A_19 : memref<632x96xbf16, #tpu.memory_space<hbm>>) dst(%dma_wait3A_17 : memref<632x96xbf16, #tpu.memory_space<vmem_shared>>)
        tpu.yield
      }) : () -> ()
    } else {
    }
    %eq3A_3 = arith.constant 1 : i32
    %eq3A_4 = arith.cmpi eq, %arg0, %eq3A_3 : i32
    %convert_element_type3A_5 = arith.extui %eq3A_4 : i1 to i32
    %cond3A_6 = arith.constant 0 : i32
    %cond3A_7 = arith.cmpi ne, %convert_element_type3A_5, %cond3A_6 : i32
    scf.if %cond3A_7 {
      "tpu.region"() ({
        %run_scoped3A = tpu.sem_alloc : memref<!tpu.dma_semaphore, #tpu.memory_space<semaphore_mem>>
        %dma_start3A = arith.constant 0 : i32
        %dma_start3A_14 = tpu.memref_slice %arg7[%mul3A_0, %dma_start3A] : memref<10112x96xbf16, #tpu.memory_space<vmem_shared>> -> memref<632x96xbf16, #tpu.memory_space<vmem_shared>>
        %dma_start3A_15 = arith.constant 0 : i32
        %dma_start3A_16 = tpu.memref_slice %arg4[%mul3A_0, %dma_start3A_15] : memref<10112x96xbf16, #tpu.memory_space<hbm>> -> memref<632x96xbf16, #tpu.memory_space<hbm>>
        tpu.enqueue_dma source(%dma_start3A_16 : memref<632x96xbf16, #tpu.memory_space<hbm>>) target(%dma_start3A_14 : memref<632x96xbf16, #tpu.memory_space<vmem_shared>>) target_semaphore(%run_scoped3A : memref<!tpu.dma_semaphore, #tpu.memory_space<semaphore_mem>>)
        %dma_wait3A = arith.constant 0 : i32
        %dma_wait3A_17 = tpu.memref_slice %arg7[%mul3A_0, %dma_wait3A] : memref<10112x96xbf16, #tpu.memory_space<vmem_shared>> -> memref<632x96xbf16, #tpu.memory_space<vmem_shared>>
        %dma_wait3A_18 = arith.constant 0 : i32
        %dma_wait3A_19 = tpu.memref_slice %arg4[%mul3A_0, %dma_wait3A_18] : memref<10112x96xbf16, #tpu.memory_space<hbm>> -> memref<632x96xbf16, #tpu.memory_space<hbm>>
        tpu.wait_dma2 semaphore(%run_scoped3A : memref<!tpu.dma_semaphore, #tpu.memory_space<semaphore_mem>>) src(%dma_wait3A_19 : memref<632x96xbf16, #tpu.memory_space<hbm>>) dst(%dma_wait3A_17 : memref<632x96xbf16, #tpu.memory_space<vmem_shared>>)
        tpu.yield
      }) : () -> ()
    } else {
    }
    "tpu.region"() ({
      %run_scoped3A = tpu.sem_alloc : memref<!tpu.dma_semaphore, #tpu.memory_space<semaphore_mem>>
      %dma_start3A = arith.constant 0 : i32
      %dma_start3A_14 = tpu.memref_slice %arg8[%mul3A_0, %dma_start3A] : memref<10112x96xbf16, #tpu.memory_space<vmem_shared>> -> memref<632x96xbf16, #tpu.memory_space<vmem_shared>>
      %dma_start3A_15 = arith.constant 0 : i32
      %dma_start3A_16 = tpu.memref_slice %arg5[%mul3A_0, %dma_start3A_15] : memref<10112x96xbf16, #tpu.memory_space<hbm>> -> memref<632x96xbf16, #tpu.memory_space<hbm>>
      tpu.enqueue_dma source(%dma_start3A_16 : memref<632x96xbf16, #tpu.memory_space<hbm>>) target(%dma_start3A_14 : memref<632x96xbf16, #tpu.memory_space<vmem_shared>>) target_semaphore(%run_scoped3A : memref<!tpu.dma_semaphore, #tpu.memory_space<semaphore_mem>>)
      %dma_wait3A = arith.constant 0 : i32
      %dma_wait3A_17 = tpu.memref_slice %arg8[%mul3A_0, %dma_wait3A] : memref<10112x96xbf16, #tpu.memory_space<vmem_shared>> -> memref<632x96xbf16, #tpu.memory_space<vmem_shared>>
      %dma_wait3A_18 = arith.constant 0 : i32
      %dma_wait3A_19 = tpu.memref_slice %arg5[%mul3A_0, %dma_wait3A_18] : memref<10112x96xbf16, #tpu.memory_space<hbm>> -> memref<632x96xbf16, #tpu.memory_space<hbm>>
      tpu.wait_dma2 semaphore(%run_scoped3A : memref<!tpu.dma_semaphore, #tpu.memory_space<semaphore_mem>>) src(%dma_wait3A_19 : memref<632x96xbf16, #tpu.memory_space<hbm>>) dst(%dma_wait3A_17 : memref<632x96xbf16, #tpu.memory_space<vmem_shared>>)
      tpu.yield
    }) : () -> ()
    %barrier3A = arith.constant 0 : index
    tpu.barrier barrier_id(%barrier3A)
    %scan3A = arith.constant 0 : i32
    %scan3A_8 = arith.constant 0 : i32
    %scan3A_9 = arith.constant 8 : i32
    %scan3A_10 = arith.addi %scan3A_8, %scan3A_9 : i32
    %scan3A_11 = arith.constant 1 : i32
    scf.for %scan3A_14 = %scan3A_8 to %scan3A_10 step %scan3A_11  : i32 {
      %mul3A_15 = arith.constant 160 : i32
      %mul3A_16 = arith.muli %arg1, %mul3A_15 : i32
      %mul3A_17 = arith.constant 20 : i32
      %mul3A_18 = arith.muli %scan3A_14, %mul3A_17 : i32
      %add3A = arith.addi %mul3A_16, %mul3A_18 : i32
      %run_scoped3A = arith.constant 0 : i32
      "tpu.region"() ({
        %run_scoped3A_32 = tpu.sem_alloc : memref<!tpu.dma_semaphore, #tpu.memory_space<semaphore_mem>>
        %dma_start3A_33 = arith.constant 0 : i32
        %dma_start3A_34 = tpu.memref_slice %arg2[%run_scoped3A, %add3A, %dma_start3A_33] : memref<2x2560x128xi32, #tpu.memory_space<hbm>> -> memref<1x20x128xi32, #tpu.memory_space<hbm>>
        %dma_start3A_35 = tpu.memref_squeeze %dma_start3A_34 : memref<1x20x128xi32, #tpu.memory_space<hbm>> -> memref<20x128xi32, #tpu.memory_space<hbm>>
        %dma_start3A_36 = arith.constant 0 : i32
        %dma_start3A_37 = tpu.memref_slice %arg2[%run_scoped3A, %add3A, %dma_start3A_36] : memref<2x2560x128xi32, #tpu.memory_space<hbm>> -> memref<1x20x128xi32, #tpu.memory_space<hbm>>
        %dma_start3A_38 = tpu.memref_squeeze %dma_start3A_37 : memref<1x20x128xi32, #tpu.memory_space<hbm>> -> memref<20x128xi32, #tpu.memory_space<hbm>>
        tpu.enqueue_dma source(%dma_start3A_38 : memref<20x128xi32, #tpu.memory_space<hbm>>) target(%arg9 : memref<20x128xi32, #tpu.memory_space<vmem>>) target_semaphore(%run_scoped3A_32 : memref<!tpu.dma_semaphore, #tpu.memory_space<semaphore_mem>>)
        %dma_wait3A = arith.constant 0 : i32
        %dma_wait3A_39 = tpu.memref_slice %arg2[%run_scoped3A, %add3A, %dma_wait3A] : memref<2x2560x128xi32, #tpu.memory_space<hbm>> -> memref<1x20x128xi32, #tpu.memory_space<hbm>>
        %dma_wait3A_40 = tpu.memref_squeeze %dma_wait3A_39 : memref<1x20x128xi32, #tpu.memory_space<hbm>> -> memref<20x128xi32, #tpu.memory_space<hbm>>
        %dma_wait3A_41 = arith.constant 0 : i32
        %dma_wait3A_42 = tpu.memref_slice %arg2[%run_scoped3A, %add3A, %dma_wait3A_41] : memref<2x2560x128xi32, #tpu.memory_space<hbm>> -> memref<1x20x128xi32, #tpu.memory_space<hbm>>
        %dma_wait3A_43 = tpu.memref_squeeze %dma_wait3A_42 : memref<1x20x128xi32, #tpu.memory_space<hbm>> -> memref<20x128xi32, #tpu.memory_space<hbm>>
        tpu.wait_dma2 semaphore(%run_scoped3A_32 : memref<!tpu.dma_semaphore, #tpu.memory_space<semaphore_mem>>) src(%dma_wait3A_43 : memref<20x128xi32, #tpu.memory_space<hbm>>) dst(%arg9 : memref<20x128xi32, #tpu.memory_space<vmem>>)
        tpu.yield
      }) : () -> ()
      %run_scoped3A_19 = arith.constant 1 : i32
      "tpu.region"() ({
        %run_scoped3A_32 = tpu.sem_alloc : memref<!tpu.dma_semaphore, #tpu.memory_space<semaphore_mem>>
        %dma_start3A_33 = arith.constant 0 : i32
        %dma_start3A_34 = tpu.memref_slice %arg2[%run_scoped3A_19, %add3A, %dma_start3A_33] : memref<2x2560x128xi32, #tpu.memory_space<hbm>> -> memref<1x20x128xi32, #tpu.memory_space<hbm>>
        %dma_start3A_35 = tpu.memref_squeeze %dma_start3A_34 : memref<1x20x128xi32, #tpu.memory_space<hbm>> -> memref<20x128xi32, #tpu.memory_space<hbm>>
        %dma_start3A_36 = arith.constant 0 : i32
        %dma_start3A_37 = tpu.memref_slice %arg2[%run_scoped3A_19, %add3A, %dma_start3A_36] : memref<2x2560x128xi32, #tpu.memory_space<hbm>> -> memref<1x20x128xi32, #tpu.memory_space<hbm>>
        %dma_start3A_38 = tpu.memref_squeeze %dma_start3A_37 : memref<1x20x128xi32, #tpu.memory_space<hbm>> -> memref<20x128xi32, #tpu.memory_space<hbm>>
        tpu.enqueue_dma source(%dma_start3A_38 : memref<20x128xi32, #tpu.memory_space<hbm>>) target(%arg10 : memref<20x128xi32, #tpu.memory_space<vmem>>) target_semaphore(%run_scoped3A_32 : memref<!tpu.dma_semaphore, #tpu.memory_space<semaphore_mem>>)
        %dma_wait3A = arith.constant 0 : i32
        %dma_wait3A_39 = tpu.memref_slice %arg2[%run_scoped3A_19, %add3A, %dma_wait3A] : memref<2x2560x128xi32, #tpu.memory_space<hbm>> -> memref<1x20x128xi32, #tpu.memory_space<hbm>>
        %dma_wait3A_40 = tpu.memref_squeeze %dma_wait3A_39 : memref<1x20x128xi32, #tpu.memory_space<hbm>> -> memref<20x128xi32, #tpu.memory_space<hbm>>
        %dma_wait3A_41 = arith.constant 0 : i32
        %dma_wait3A_42 = tpu.memref_slice %arg2[%run_scoped3A_19, %add3A, %dma_wait3A_41] : memref<2x2560x128xi32, #tpu.memory_space<hbm>> -> memref<1x20x128xi32, #tpu.memory_space<hbm>>
        %dma_wait3A_43 = tpu.memref_squeeze %dma_wait3A_42 : memref<1x20x128xi32, #tpu.memory_space<hbm>> -> memref<20x128xi32, #tpu.memory_space<hbm>>
        tpu.wait_dma2 semaphore(%run_scoped3A_32 : memref<!tpu.dma_semaphore, #tpu.memory_space<semaphore_mem>>) src(%dma_wait3A_43 : memref<20x128xi32, #tpu.memory_space<hbm>>) dst(%arg10 : memref<20x128xi32, #tpu.memory_space<vmem>>)
        tpu.yield
      }) : () -> ()
      %dma_start3A = arith.constant 0 : i32
      %dma_start3A_20 = arith.constant 0 : i32
      %dma_start3A_21 = tpu.memref_slice %arg9[%dma_start3A, %dma_start3A_20] : memref<20x128xi32, #tpu.memory_space<vmem>> -> memref<1x128xi32, #tpu.memory_space<vmem>>
      %dma_start3A_22 = tpu.memref_squeeze %dma_start3A_21 : memref<1x128xi32, #tpu.memory_space<vmem>> -> memref<128xi32, #tpu.memory_space<vmem>>
      %dma_start3A_23 = arith.constant 0 : i32
      %dma_start3A_24 = arith.constant 0 : i32
      %dma_start3A_25 = tpu.memref_slice %arg7[%dma_start3A_23, %dma_start3A_24] : memref<10112x96xbf16, #tpu.memory_space<vmem_shared>> -> memref<10112x96xbf16, #tpu.memory_space<vmem_shared>>
      tpu.enqueue_indirect_dma source(%dma_start3A_25 : memref<10112x96xbf16, #tpu.memory_space<vmem_shared>>) target(%arg11 : memref<128x96xbf16, #tpu.memory_space<vmem>>) offsets(%dma_start3A_22 : memref<128xi32, #tpu.memory_space<vmem>>) semaphore(%arg13 : memref<!tpu.dma_semaphore, #tpu.memory_space<semaphore_mem>>)
      %scan3A_26 = arith.constant 0 : i32
      %scan3A_27 = arith.constant 0 : i32
      %scan3A_28 = arith.constant 10 : i32
      %scan3A_29 = arith.addi %scan3A_27, %scan3A_28 : i32
      %scan3A_30 = arith.constant 1 : i32
      scf.for %scan3A_32 = %scan3A_27 to %scan3A_29 step %scan3A_30  : i32 {
        %mul3A_33 = arith.constant 2 : i32
        %mul3A_34 = arith.muli %mul3A_33, %scan3A_32 : i32
        %add3A_35 = arith.constant 1 : i32
        %add3A_36 = arith.addi %mul3A_34, %add3A_35 : i32
        %dma_start3A_37 = arith.constant 0 : i32
        %dma_start3A_38 = tpu.memref_slice %arg9[%add3A_36, %dma_start3A_37] : memref<20x128xi32, #tpu.memory_space<vmem>> -> memref<1x128xi32, #tpu.memory_space<vmem>>
        %dma_start3A_39 = tpu.memref_squeeze %dma_start3A_38 : memref<1x128xi32, #tpu.memory_space<vmem>> -> memref<128xi32, #tpu.memory_space<vmem>>
        %dma_start3A_40 = arith.constant 0 : i32
        %dma_start3A_41 = arith.constant 0 : i32
        %dma_start3A_42 = tpu.memref_slice %arg7[%dma_start3A_40, %dma_start3A_41] : memref<10112x96xbf16, #tpu.memory_space<vmem_shared>> -> memref<10112x96xbf16, #tpu.memory_space<vmem_shared>>
        tpu.enqueue_indirect_dma source(%dma_start3A_42 : memref<10112x96xbf16, #tpu.memory_space<vmem_shared>>) target(%arg12 : memref<128x96xbf16, #tpu.memory_space<vmem>>) offsets(%dma_start3A_39 : memref<128xi32, #tpu.memory_space<vmem>>) semaphore(%arg14 : memref<!tpu.dma_semaphore, #tpu.memory_space<semaphore_mem>>)
        %dma_wait3A = arith.constant 0 : i32
        %dma_wait3A_43 = tpu.memref_slice %arg9[%mul3A_34, %dma_wait3A] : memref<20x128xi32, #tpu.memory_space<vmem>> -> memref<1x128xi32, #tpu.memory_space<vmem>>
        %dma_wait3A_44 = tpu.memref_squeeze %dma_wait3A_43 : memref<1x128xi32, #tpu.memory_space<vmem>> -> memref<128xi32, #tpu.memory_space<vmem>>
        %dma_wait3A_45 = arith.constant 0 : i32
        %dma_wait3A_46 = arith.constant 0 : i32
        %dma_wait3A_47 = tpu.memref_slice %arg7[%dma_wait3A_45, %dma_wait3A_46] : memref<10112x96xbf16, #tpu.memory_space<vmem_shared>> -> memref<10112x96xbf16, #tpu.memory_space<vmem_shared>>
        tpu.wait_indirect_dma semaphore(%arg13 : memref<!tpu.dma_semaphore, #tpu.memory_space<semaphore_mem>>) src(%dma_wait3A_47 : memref<10112x96xbf16, #tpu.memory_space<vmem_shared>>) dst(%arg11 : memref<128x96xbf16, #tpu.memory_space<vmem>>)
        "tpu.region"() ({
          %run_scoped3A_60 = tpu.sem_alloc : memref<!tpu.dma_semaphore, #tpu.memory_space<semaphore_mem>>
          %dma_start3A_61 = arith.constant 0 : i32
          %dma_start3A_62 = tpu.memref_slice %arg10[%mul3A_34, %dma_start3A_61] : memref<20x128xi32, #tpu.memory_space<vmem>> -> memref<1x128xi32, #tpu.memory_space<vmem>>
          %dma_start3A_63 = tpu.memref_squeeze %dma_start3A_62 : memref<1x128xi32, #tpu.memory_space<vmem>> -> memref<128xi32, #tpu.memory_space<vmem>>
          %dma_start3A_64 = arith.constant 0 : i32
          %dma_start3A_65 = arith.constant 0 : i32
          %dma_start3A_66 = tpu.memref_slice %arg8[%dma_start3A_64, %dma_start3A_65] : memref<10112x96xbf16, #tpu.memory_space<vmem_shared>> -> memref<10112x96xbf16, #tpu.memory_space<vmem_shared>>
          tpu.enqueue_indirect_dma source(%arg11 : memref<128x96xbf16, #tpu.memory_space<vmem>>) target(%dma_start3A_66 : memref<10112x96xbf16, #tpu.memory_space<vmem_shared>>) offsets(%dma_start3A_63 : memref<128xi32, #tpu.memory_space<vmem>>) semaphore(%run_scoped3A_60 : memref<!tpu.dma_semaphore, #tpu.memory_space<semaphore_mem>>) {add = true}
          %dma_wait3A_67 = arith.constant 0 : i32
          %dma_wait3A_68 = tpu.memref_slice %arg10[%mul3A_34, %dma_wait3A_67] : memref<20x128xi32, #tpu.memory_space<vmem>> -> memref<1x128xi32, #tpu.memory_space<vmem>>
          %dma_wait3A_69 = tpu.memref_squeeze %dma_wait3A_68 : memref<1x128xi32, #tpu.memory_space<vmem>> -> memref<128xi32, #tpu.memory_space<vmem>>
          %dma_wait3A_70 = arith.constant 0 : i32
          %dma_wait3A_71 = arith.constant 0 : i32
          %dma_wait3A_72 = tpu.memref_slice %arg8[%dma_wait3A_70, %dma_wait3A_71] : memref<10112x96xbf16, #tpu.memory_space<vmem_shared>> -> memref<10112x96xbf16, #tpu.memory_space<vmem_shared>>
          tpu.wait_indirect_dma semaphore(%run_scoped3A_60 : memref<!tpu.dma_semaphore, #tpu.memory_space<semaphore_mem>>) src(%arg11 : memref<128x96xbf16, #tpu.memory_space<vmem>>) dst(%dma_wait3A_72 : memref<10112x96xbf16, #tpu.memory_space<vmem_shared>>)
          tpu.yield
        }) : () -> ()
        %add3A_48 = arith.constant 1 : i32
        %add3A_49 = arith.addi %scan3A_32, %add3A_48 : i32
        %lt3A = arith.constant 10 : i32
        %lt3A_50 = arith.cmpi slt, %add3A_49, %lt3A : i32
        %convert_element_type3A_51 = arith.extui %lt3A_50 : i1 to i32
        %cond3A_52 = arith.constant 0 : i32
        %cond3A_53 = arith.cmpi ne, %convert_element_type3A_51, %cond3A_52 : i32
        scf.if %cond3A_53 {
          %add3A_60 = arith.constant 2 : i32
          %add3A_61 = arith.addi %mul3A_34, %add3A_60 : i32
          %dma_start3A_62 = arith.constant 0 : i32
          %dma_start3A_63 = tpu.memref_slice %arg9[%add3A_61, %dma_start3A_62] : memref<20x128xi32, #tpu.memory_space<vmem>> -> memref<1x128xi32, #tpu.memory_space<vmem>>
          %dma_start3A_64 = tpu.memref_squeeze %dma_start3A_63 : memref<1x128xi32, #tpu.memory_space<vmem>> -> memref<128xi32, #tpu.memory_space<vmem>>
          %dma_start3A_65 = arith.constant 0 : i32
          %dma_start3A_66 = arith.constant 0 : i32
          %dma_start3A_67 = tpu.memref_slice %arg7[%dma_start3A_65, %dma_start3A_66] : memref<10112x96xbf16, #tpu.memory_space<vmem_shared>> -> memref<10112x96xbf16, #tpu.memory_space<vmem_shared>>
          tpu.enqueue_indirect_dma source(%dma_start3A_67 : memref<10112x96xbf16, #tpu.memory_space<vmem_shared>>) target(%arg11 : memref<128x96xbf16, #tpu.memory_space<vmem>>) offsets(%dma_start3A_64 : memref<128xi32, #tpu.memory_space<vmem>>) semaphore(%arg13 : memref<!tpu.dma_semaphore, #tpu.memory_space<semaphore_mem>>)
        } else {
        }
        %dma_wait3A_54 = arith.constant 0 : i32
        %dma_wait3A_55 = tpu.memref_slice %arg9[%add3A_36, %dma_wait3A_54] : memref<20x128xi32, #tpu.memory_space<vmem>> -> memref<1x128xi32, #tpu.memory_space<vmem>>
        %dma_wait3A_56 = tpu.memref_squeeze %dma_wait3A_55 : memref<1x128xi32, #tpu.memory_space<vmem>> -> memref<128xi32, #tpu.memory_space<vmem>>
        %dma_wait3A_57 = arith.constant 0 : i32
        %dma_wait3A_58 = arith.constant 0 : i32
        %dma_wait3A_59 = tpu.memref_slice %arg7[%dma_wait3A_57, %dma_wait3A_58] : memref<10112x96xbf16, #tpu.memory_space<vmem_shared>> -> memref<10112x96xbf16, #tpu.memory_space<vmem_shared>>
        tpu.wait_indirect_dma semaphore(%arg14 : memref<!tpu.dma_semaphore, #tpu.memory_space<semaphore_mem>>) src(%dma_wait3A_59 : memref<10112x96xbf16, #tpu.memory_space<vmem_shared>>) dst(%arg12 : memref<128x96xbf16, #tpu.memory_space<vmem>>)
        "tpu.region"() ({
          %run_scoped3A_60 = tpu.sem_alloc : memref<!tpu.dma_semaphore, #tpu.memory_space<semaphore_mem>>
          %dma_start3A_61 = arith.constant 0 : i32
          %dma_start3A_62 = tpu.memref_slice %arg10[%add3A_36, %dma_start3A_61] : memref<20x128xi32, #tpu.memory_space<vmem>> -> memref<1x128xi32, #tpu.memory_space<vmem>>
          %dma_start3A_63 = tpu.memref_squeeze %dma_start3A_62 : memref<1x128xi32, #tpu.memory_space<vmem>> -> memref<128xi32, #tpu.memory_space<vmem>>
          %dma_start3A_64 = arith.constant 0 : i32
          %dma_start3A_65 = arith.constant 0 : i32
          %dma_start3A_66 = tpu.memref_slice %arg8[%dma_start3A_64, %dma_start3A_65] : memref<10112x96xbf16, #tpu.memory_space<vmem_shared>> -> memref<10112x96xbf16, #tpu.memory_space<vmem_shared>>
          tpu.enqueue_indirect_dma source(%arg12 : memref<128x96xbf16, #tpu.memory_space<vmem>>) target(%dma_start3A_66 : memref<10112x96xbf16, #tpu.memory_space<vmem_shared>>) offsets(%dma_start3A_63 : memref<128xi32, #tpu.memory_space<vmem>>) semaphore(%run_scoped3A_60 : memref<!tpu.dma_semaphore, #tpu.memory_space<semaphore_mem>>) {add = true}
          %dma_wait3A_67 = arith.constant 0 : i32
          %dma_wait3A_68 = tpu.memref_slice %arg10[%add3A_36, %dma_wait3A_67] : memref<20x128xi32, #tpu.memory_space<vmem>> -> memref<1x128xi32, #tpu.memory_space<vmem>>
          %dma_wait3A_69 = tpu.memref_squeeze %dma_wait3A_68 : memref<1x128xi32, #tpu.memory_space<vmem>> -> memref<128xi32, #tpu.memory_space<vmem>>
          %dma_wait3A_70 = arith.constant 0 : i32
          %dma_wait3A_71 = arith.constant 0 : i32
          %dma_wait3A_72 = tpu.memref_slice %arg8[%dma_wait3A_70, %dma_wait3A_71] : memref<10112x96xbf16, #tpu.memory_space<vmem_shared>> -> memref<10112x96xbf16, #tpu.memory_space<vmem_shared>>
          tpu.wait_indirect_dma semaphore(%run_scoped3A_60 : memref<!tpu.dma_semaphore, #tpu.memory_space<semaphore_mem>>) src(%arg12 : memref<128x96xbf16, #tpu.memory_space<vmem>>) dst(%dma_wait3A_72 : memref<10112x96xbf16, #tpu.memory_space<vmem_shared>>)
          tpu.yield
        }) : () -> ()
      }
      %scan3A_31 = arith.constant 10 : i32
    }
    %scan3A_12 = arith.constant 8 : i32
    %barrier3A_13 = arith.constant 0 : index
    tpu.barrier barrier_id(%barrier3A_13)
    "tpu.region"() ({
      %run_scoped3A = tpu.sem_alloc : memref<!tpu.dma_semaphore, #tpu.memory_space<semaphore_mem>>
      %dma_start3A = arith.constant 0 : i32
      %dma_start3A_14 = tpu.memref_slice %arg6[%arg0, %mul3A_0, %dma_start3A] : memref<2x10112x96xbf16, #tpu.memory_space<hbm>> -> memref<1x632x96xbf16, #tpu.memory_space<hbm>>
      %dma_start3A_15 = tpu.memref_squeeze %dma_start3A_14 : memref<1x632x96xbf16, #tpu.memory_space<hbm>> -> memref<632x96xbf16, #tpu.memory_space<hbm>>
      %dma_start3A_16 = arith.constant 0 : i32
      %dma_start3A_17 = tpu.memref_slice %arg8[%mul3A_0, %dma_start3A_16] : memref<10112x96xbf16, #tpu.memory_space<vmem_shared>> -> memref<632x96xbf16, #tpu.memory_space<vmem_shared>>
      tpu.enqueue_dma source(%dma_start3A_17 : memref<632x96xbf16, #tpu.memory_space<vmem_shared>>) target(%dma_start3A_15 : memref<632x96xbf16, #tpu.memory_space<hbm>>) target_semaphore(%run_scoped3A : memref<!tpu.dma_semaphore, #tpu.memory_space<semaphore_mem>>)
      %dma_wait3A = arith.constant 0 : i32
      %dma_wait3A_18 = tpu.memref_slice %arg6[%arg0, %mul3A_0, %dma_wait3A] : memref<2x10112x96xbf16, #tpu.memory_space<hbm>> -> memref<1x632x96xbf16, #tpu.memory_space<hbm>>
      %dma_wait3A_19 = tpu.memref_squeeze %dma_wait3A_18 : memref<1x632x96xbf16, #tpu.memory_space<hbm>> -> memref<632x96xbf16, #tpu.memory_space<hbm>>
      %dma_wait3A_20 = arith.constant 0 : i32
      %dma_wait3A_21 = tpu.memref_slice %arg8[%mul3A_0, %dma_wait3A_20] : memref<10112x96xbf16, #tpu.memory_space<vmem_shared>> -> memref<632x96xbf16, #tpu.memory_space<vmem_shared>>
      tpu.wait_dma2 semaphore(%run_scoped3A : memref<!tpu.dma_semaphore, #tpu.memory_space<semaphore_mem>>) src(%dma_wait3A_21 : memref<632x96xbf16, #tpu.memory_space<vmem_shared>>) dst(%dma_wait3A_19 : memref<632x96xbf16, #tpu.memory_space<hbm>>)
      tpu.yield
    }) : () -> ()
    return
  }
}

#map = affine_map<(d0, d1) -> (0, 0, 0)>
#map1 = affine_map<(d0, d1) -> (0, 0)>
module attributes {stable_mosaic.version = 14 : i64} {
  func.func @body(%arg0: i32, %arg1: i32, %arg2: memref<2x2560x128xi32, #tpu.memory_space<hbm>>, %arg3: memref<10112x16xf32, #tpu.memory_space<hbm>>, %arg4: memref<10112x16xf32, #tpu.memory_space<hbm>>, %arg5: memref<2x10112x16xf32, #tpu.memory_space<hbm>>, %arg6: memref<10112x16xf32, #tpu.memory_space<vmem_shared>>, %arg7: memref<10112x16xf32, #tpu.memory_space<vmem_shared>>, %arg8: memref<80x128xi32, #tpu.memory_space<vmem>>, %arg9: memref<80x128xi32, #tpu.memory_space<vmem>>, %arg10: memref<128x16xf32, #tpu.memory_space<vmem>>, %arg11: memref<128x16xf32, #tpu.memory_space<vmem>>, %arg12: memref<!tpu.dma_semaphore, #tpu.memory_space<semaphore_mem>>, %arg13: memref<!tpu.dma_semaphore, #tpu.memory_space<semaphore_mem>>) attributes {dimension_semantics = [#tpu.dimension_semantics<core_parallel>, #tpu.dimension_semantics<subcore_parallel>], iteration_bounds = array<i64: 2, 16>, scalar_prefetch = 0 : i64, scratch_operands = 8 : i64, tpu.core_type = #tpu.core_type<sc_vector_subcore>, window_params = [{transform_indices = #map}, {transform_indices = #map1}, {transform_indices = #map1}, {transform_indices = #map}]} {
    %mul3A = arith.constant 16 : i32
    %mul3A_0 = arith.muli %arg0, %mul3A : i32
    %add3A = arith.addi %mul3A_0, %arg1 : i32
    %mul3A_1 = arith.constant 632 : i32
    %mul3A_2 = arith.muli %arg1, %mul3A_1 : i32
    "tpu.region"() ({
      %run_scoped3A_20 = tpu.sem_alloc : memref<!tpu.dma_semaphore, #tpu.memory_space<semaphore_mem>>
      %dma_start3A_21 = arith.constant 0 : i32
      %dma_start3A_22 = tpu.memref_slice %arg6[%mul3A_2, %dma_start3A_21] : memref<10112x16xf32, #tpu.memory_space<vmem_shared>> -> memref<632x16xf32, #tpu.memory_space<vmem_shared>>
      %dma_start3A_23 = arith.constant 0 : i32
      %dma_start3A_24 = tpu.memref_slice %arg3[%mul3A_2, %dma_start3A_23] : memref<10112x16xf32, #tpu.memory_space<hbm>> -> memref<632x16xf32, #tpu.memory_space<hbm>>
      tpu.enqueue_dma source(%dma_start3A_24 : memref<632x16xf32, #tpu.memory_space<hbm>>) target(%dma_start3A_22 : memref<632x16xf32, #tpu.memory_space<vmem_shared>>) target_semaphore(%run_scoped3A_20 : memref<!tpu.dma_semaphore, #tpu.memory_space<semaphore_mem>>)
      %dma_wait3A = arith.constant 0 : i32
      %dma_wait3A_25 = tpu.memref_slice %arg6[%mul3A_2, %dma_wait3A] : memref<10112x16xf32, #tpu.memory_space<vmem_shared>> -> memref<632x16xf32, #tpu.memory_space<vmem_shared>>
      %dma_wait3A_26 = arith.constant 0 : i32
      %dma_wait3A_27 = tpu.memref_slice %arg3[%mul3A_2, %dma_wait3A_26] : memref<10112x16xf32, #tpu.memory_space<hbm>> -> memref<632x16xf32, #tpu.memory_space<hbm>>
      tpu.wait_dma2 semaphore(%run_scoped3A_20 : memref<!tpu.dma_semaphore, #tpu.memory_space<semaphore_mem>>) src(%dma_wait3A_27 : memref<632x16xf32, #tpu.memory_space<hbm>>) dst(%dma_wait3A_25 : memref<632x16xf32, #tpu.memory_space<vmem_shared>>)
      tpu.yield
    }) : () -> ()
    "tpu.region"() ({
      %run_scoped3A_20 = tpu.sem_alloc : memref<!tpu.dma_semaphore, #tpu.memory_space<semaphore_mem>>
      %dma_start3A_21 = arith.constant 0 : i32
      %dma_start3A_22 = tpu.memref_slice %arg7[%mul3A_2, %dma_start3A_21] : memref<10112x16xf32, #tpu.memory_space<vmem_shared>> -> memref<632x16xf32, #tpu.memory_space<vmem_shared>>
      %dma_start3A_23 = arith.constant 0 : i32
      %dma_start3A_24 = tpu.memref_slice %arg4[%mul3A_2, %dma_start3A_23] : memref<10112x16xf32, #tpu.memory_space<hbm>> -> memref<632x16xf32, #tpu.memory_space<hbm>>
      tpu.enqueue_dma source(%dma_start3A_24 : memref<632x16xf32, #tpu.memory_space<hbm>>) target(%dma_start3A_22 : memref<632x16xf32, #tpu.memory_space<vmem_shared>>) target_semaphore(%run_scoped3A_20 : memref<!tpu.dma_semaphore, #tpu.memory_space<semaphore_mem>>)
      %dma_wait3A = arith.constant 0 : i32
      %dma_wait3A_25 = tpu.memref_slice %arg7[%mul3A_2, %dma_wait3A] : memref<10112x16xf32, #tpu.memory_space<vmem_shared>> -> memref<632x16xf32, #tpu.memory_space<vmem_shared>>
      %dma_wait3A_26 = arith.constant 0 : i32
      %dma_wait3A_27 = tpu.memref_slice %arg4[%mul3A_2, %dma_wait3A_26] : memref<10112x16xf32, #tpu.memory_space<hbm>> -> memref<632x16xf32, #tpu.memory_space<hbm>>
      tpu.wait_dma2 semaphore(%run_scoped3A_20 : memref<!tpu.dma_semaphore, #tpu.memory_space<semaphore_mem>>) src(%dma_wait3A_27 : memref<632x16xf32, #tpu.memory_space<hbm>>) dst(%dma_wait3A_25 : memref<632x16xf32, #tpu.memory_space<vmem_shared>>)
      tpu.yield
    }) : () -> ()
    %mul3A_3 = arith.constant 80 : i32
    %mul3A_4 = arith.muli %add3A, %mul3A_3 : i32
    %run_scoped3A = arith.constant 0 : i32
    "tpu.region"() ({
      %run_scoped3A_20 = tpu.sem_alloc : memref<!tpu.dma_semaphore, #tpu.memory_space<semaphore_mem>>
      %dma_start3A_21 = arith.constant 0 : i32
      %dma_start3A_22 = tpu.memref_slice %arg2[%run_scoped3A, %mul3A_4, %dma_start3A_21] : memref<2x2560x128xi32, #tpu.memory_space<hbm>> -> memref<1x80x128xi32, #tpu.memory_space<hbm>>
      %dma_start3A_23 = tpu.memref_squeeze %dma_start3A_22 : memref<1x80x128xi32, #tpu.memory_space<hbm>> -> memref<80x128xi32, #tpu.memory_space<hbm>>
      %dma_start3A_24 = arith.constant 0 : i32
      %dma_start3A_25 = tpu.memref_slice %arg2[%run_scoped3A, %mul3A_4, %dma_start3A_24] : memref<2x2560x128xi32, #tpu.memory_space<hbm>> -> memref<1x80x128xi32, #tpu.memory_space<hbm>>
      %dma_start3A_26 = tpu.memref_squeeze %dma_start3A_25 : memref<1x80x128xi32, #tpu.memory_space<hbm>> -> memref<80x128xi32, #tpu.memory_space<hbm>>
      tpu.enqueue_dma source(%dma_start3A_26 : memref<80x128xi32, #tpu.memory_space<hbm>>) target(%arg8 : memref<80x128xi32, #tpu.memory_space<vmem>>) target_semaphore(%run_scoped3A_20 : memref<!tpu.dma_semaphore, #tpu.memory_space<semaphore_mem>>)
      %dma_wait3A = arith.constant 0 : i32
      %dma_wait3A_27 = tpu.memref_slice %arg2[%run_scoped3A, %mul3A_4, %dma_wait3A] : memref<2x2560x128xi32, #tpu.memory_space<hbm>> -> memref<1x80x128xi32, #tpu.memory_space<hbm>>
      %dma_wait3A_28 = tpu.memref_squeeze %dma_wait3A_27 : memref<1x80x128xi32, #tpu.memory_space<hbm>> -> memref<80x128xi32, #tpu.memory_space<hbm>>
      %dma_wait3A_29 = arith.constant 0 : i32
      %dma_wait3A_30 = tpu.memref_slice %arg2[%run_scoped3A, %mul3A_4, %dma_wait3A_29] : memref<2x2560x128xi32, #tpu.memory_space<hbm>> -> memref<1x80x128xi32, #tpu.memory_space<hbm>>
      %dma_wait3A_31 = tpu.memref_squeeze %dma_wait3A_30 : memref<1x80x128xi32, #tpu.memory_space<hbm>> -> memref<80x128xi32, #tpu.memory_space<hbm>>
      tpu.wait_dma2 semaphore(%run_scoped3A_20 : memref<!tpu.dma_semaphore, #tpu.memory_space<semaphore_mem>>) src(%dma_wait3A_31 : memref<80x128xi32, #tpu.memory_space<hbm>>) dst(%arg8 : memref<80x128xi32, #tpu.memory_space<vmem>>)
      tpu.yield
    }) : () -> ()
    %mul3A_5 = arith.constant 80 : i32
    %mul3A_6 = arith.muli %add3A, %mul3A_5 : i32
    %run_scoped3A_7 = arith.constant 1 : i32
    "tpu.region"() ({
      %run_scoped3A_20 = tpu.sem_alloc : memref<!tpu.dma_semaphore, #tpu.memory_space<semaphore_mem>>
      %dma_start3A_21 = arith.constant 0 : i32
      %dma_start3A_22 = tpu.memref_slice %arg2[%run_scoped3A_7, %mul3A_6, %dma_start3A_21] : memref<2x2560x128xi32, #tpu.memory_space<hbm>> -> memref<1x80x128xi32, #tpu.memory_space<hbm>>
      %dma_start3A_23 = tpu.memref_squeeze %dma_start3A_22 : memref<1x80x128xi32, #tpu.memory_space<hbm>> -> memref<80x128xi32, #tpu.memory_space<hbm>>
      %dma_start3A_24 = arith.constant 0 : i32
      %dma_start3A_25 = tpu.memref_slice %arg2[%run_scoped3A_7, %mul3A_6, %dma_start3A_24] : memref<2x2560x128xi32, #tpu.memory_space<hbm>> -> memref<1x80x128xi32, #tpu.memory_space<hbm>>
      %dma_start3A_26 = tpu.memref_squeeze %dma_start3A_25 : memref<1x80x128xi32, #tpu.memory_space<hbm>> -> memref<80x128xi32, #tpu.memory_space<hbm>>
      tpu.enqueue_dma source(%dma_start3A_26 : memref<80x128xi32, #tpu.memory_space<hbm>>) target(%arg9 : memref<80x128xi32, #tpu.memory_space<vmem>>) target_semaphore(%run_scoped3A_20 : memref<!tpu.dma_semaphore, #tpu.memory_space<semaphore_mem>>)
      %dma_wait3A = arith.constant 0 : i32
      %dma_wait3A_27 = tpu.memref_slice %arg2[%run_scoped3A_7, %mul3A_6, %dma_wait3A] : memref<2x2560x128xi32, #tpu.memory_space<hbm>> -> memref<1x80x128xi32, #tpu.memory_space<hbm>>
      %dma_wait3A_28 = tpu.memref_squeeze %dma_wait3A_27 : memref<1x80x128xi32, #tpu.memory_space<hbm>> -> memref<80x128xi32, #tpu.memory_space<hbm>>
      %dma_wait3A_29 = arith.constant 0 : i32
      %dma_wait3A_30 = tpu.memref_slice %arg2[%run_scoped3A_7, %mul3A_6, %dma_wait3A_29] : memref<2x2560x128xi32, #tpu.memory_space<hbm>> -> memref<1x80x128xi32, #tpu.memory_space<hbm>>
      %dma_wait3A_31 = tpu.memref_squeeze %dma_wait3A_30 : memref<1x80x128xi32, #tpu.memory_space<hbm>> -> memref<80x128xi32, #tpu.memory_space<hbm>>
      tpu.wait_dma2 semaphore(%run_scoped3A_20 : memref<!tpu.dma_semaphore, #tpu.memory_space<semaphore_mem>>) src(%dma_wait3A_31 : memref<80x128xi32, #tpu.memory_space<hbm>>) dst(%arg9 : memref<80x128xi32, #tpu.memory_space<vmem>>)
      tpu.yield
    }) : () -> ()
    %barrier3A = arith.constant 0 : index
    tpu.barrier barrier_id(%barrier3A)
    %dma_start3A = arith.constant 0 : i32
    %dma_start3A_8 = arith.constant 0 : i32
    %dma_start3A_9 = tpu.memref_slice %arg8[%dma_start3A, %dma_start3A_8] : memref<80x128xi32, #tpu.memory_space<vmem>> -> memref<1x128xi32, #tpu.memory_space<vmem>>
    %dma_start3A_10 = tpu.memref_squeeze %dma_start3A_9 : memref<1x128xi32, #tpu.memory_space<vmem>> -> memref<128xi32, #tpu.memory_space<vmem>>
    %dma_start3A_11 = arith.constant 0 : i32
    %dma_start3A_12 = arith.constant 0 : i32
    %dma_start3A_13 = tpu.memref_slice %arg6[%dma_start3A_11, %dma_start3A_12] : memref<10112x16xf32, #tpu.memory_space<vmem_shared>> -> memref<10112x16xf32, #tpu.memory_space<vmem_shared>>
    tpu.enqueue_indirect_dma source(%dma_start3A_13 : memref<10112x16xf32, #tpu.memory_space<vmem_shared>>) target(%arg10 : memref<128x16xf32, #tpu.memory_space<vmem>>) offsets(%dma_start3A_10 : memref<128xi32, #tpu.memory_space<vmem>>) semaphore(%arg12 : memref<!tpu.dma_semaphore, #tpu.memory_space<semaphore_mem>>)
    %scan3A = arith.constant 0 : i32
    %scan3A_14 = arith.constant 0 : i32
    %scan3A_15 = arith.constant 40 : i32
    %scan3A_16 = arith.addi %scan3A_14, %scan3A_15 : i32
    %scan3A_17 = arith.constant 1 : i32
    scf.for %scan3A_20 = %scan3A_14 to %scan3A_16 step %scan3A_17  : i32 {
      %mul3A_21 = arith.constant 2 : i32
      %mul3A_22 = arith.muli %mul3A_21, %scan3A_20 : i32
      %add3A_23 = arith.constant 1 : i32
      %add3A_24 = arith.addi %mul3A_22, %add3A_23 : i32
      %dma_start3A_25 = arith.constant 0 : i32
      %dma_start3A_26 = tpu.memref_slice %arg8[%add3A_24, %dma_start3A_25] : memref<80x128xi32, #tpu.memory_space<vmem>> -> memref<1x128xi32, #tpu.memory_space<vmem>>
      %dma_start3A_27 = tpu.memref_squeeze %dma_start3A_26 : memref<1x128xi32, #tpu.memory_space<vmem>> -> memref<128xi32, #tpu.memory_space<vmem>>
      %dma_start3A_28 = arith.constant 0 : i32
      %dma_start3A_29 = arith.constant 0 : i32
      %dma_start3A_30 = tpu.memref_slice %arg6[%dma_start3A_28, %dma_start3A_29] : memref<10112x16xf32, #tpu.memory_space<vmem_shared>> -> memref<10112x16xf32, #tpu.memory_space<vmem_shared>>
      tpu.enqueue_indirect_dma source(%dma_start3A_30 : memref<10112x16xf32, #tpu.memory_space<vmem_shared>>) target(%arg11 : memref<128x16xf32, #tpu.memory_space<vmem>>) offsets(%dma_start3A_27 : memref<128xi32, #tpu.memory_space<vmem>>) semaphore(%arg13 : memref<!tpu.dma_semaphore, #tpu.memory_space<semaphore_mem>>)
      %dma_wait3A = arith.constant 0 : i32
      %dma_wait3A_31 = tpu.memref_slice %arg8[%mul3A_22, %dma_wait3A] : memref<80x128xi32, #tpu.memory_space<vmem>> -> memref<1x128xi32, #tpu.memory_space<vmem>>
      %dma_wait3A_32 = tpu.memref_squeeze %dma_wait3A_31 : memref<1x128xi32, #tpu.memory_space<vmem>> -> memref<128xi32, #tpu.memory_space<vmem>>
      %dma_wait3A_33 = arith.constant 0 : i32
      %dma_wait3A_34 = arith.constant 0 : i32
      %dma_wait3A_35 = tpu.memref_slice %arg6[%dma_wait3A_33, %dma_wait3A_34] : memref<10112x16xf32, #tpu.memory_space<vmem_shared>> -> memref<10112x16xf32, #tpu.memory_space<vmem_shared>>
      tpu.wait_indirect_dma semaphore(%arg12 : memref<!tpu.dma_semaphore, #tpu.memory_space<semaphore_mem>>) src(%dma_wait3A_35 : memref<10112x16xf32, #tpu.memory_space<vmem_shared>>) dst(%arg10 : memref<128x16xf32, #tpu.memory_space<vmem>>)
      "tpu.region"() ({
        %run_scoped3A_46 = tpu.sem_alloc : memref<!tpu.dma_semaphore, #tpu.memory_space<semaphore_mem>>
        %dma_start3A_47 = arith.constant 0 : i32
        %dma_start3A_48 = tpu.memref_slice %arg9[%mul3A_22, %dma_start3A_47] : memref<80x128xi32, #tpu.memory_space<vmem>> -> memref<1x128xi32, #tpu.memory_space<vmem>>
        %dma_start3A_49 = tpu.memref_squeeze %dma_start3A_48 : memref<1x128xi32, #tpu.memory_space<vmem>> -> memref<128xi32, #tpu.memory_space<vmem>>
        %dma_start3A_50 = arith.constant 0 : i32
        %dma_start3A_51 = arith.constant 0 : i32
        %dma_start3A_52 = tpu.memref_slice %arg7[%dma_start3A_50, %dma_start3A_51] : memref<10112x16xf32, #tpu.memory_space<vmem_shared>> -> memref<10112x16xf32, #tpu.memory_space<vmem_shared>>
        tpu.enqueue_indirect_dma source(%arg10 : memref<128x16xf32, #tpu.memory_space<vmem>>) target(%dma_start3A_52 : memref<10112x16xf32, #tpu.memory_space<vmem_shared>>) offsets(%dma_start3A_49 : memref<128xi32, #tpu.memory_space<vmem>>) semaphore(%run_scoped3A_46 : memref<!tpu.dma_semaphore, #tpu.memory_space<semaphore_mem>>) {add = true}
        %dma_wait3A_53 = arith.constant 0 : i32
        %dma_wait3A_54 = tpu.memref_slice %arg9[%mul3A_22, %dma_wait3A_53] : memref<80x128xi32, #tpu.memory_space<vmem>> -> memref<1x128xi32, #tpu.memory_space<vmem>>
        %dma_wait3A_55 = tpu.memref_squeeze %dma_wait3A_54 : memref<1x128xi32, #tpu.memory_space<vmem>> -> memref<128xi32, #tpu.memory_space<vmem>>
        %dma_wait3A_56 = arith.constant 0 : i32
        %dma_wait3A_57 = arith.constant 0 : i32
        %dma_wait3A_58 = tpu.memref_slice %arg7[%dma_wait3A_56, %dma_wait3A_57] : memref<10112x16xf32, #tpu.memory_space<vmem_shared>> -> memref<10112x16xf32, #tpu.memory_space<vmem_shared>>
        tpu.wait_indirect_dma semaphore(%run_scoped3A_46 : memref<!tpu.dma_semaphore, #tpu.memory_space<semaphore_mem>>) src(%arg10 : memref<128x16xf32, #tpu.memory_space<vmem>>) dst(%dma_wait3A_58 : memref<10112x16xf32, #tpu.memory_space<vmem_shared>>)
        tpu.yield
      }) : () -> ()
      %add3A_36 = arith.constant 1 : i32
      %add3A_37 = arith.addi %scan3A_20, %add3A_36 : i32
      %lt3A = arith.constant 40 : i32
      %lt3A_38 = arith.cmpi slt, %add3A_37, %lt3A : i32
      %convert_element_type3A = arith.extui %lt3A_38 : i1 to i32
      %cond3A = arith.constant 0 : i32
      %cond3A_39 = arith.cmpi ne, %convert_element_type3A, %cond3A : i32
      scf.if %cond3A_39 {
        %add3A_46 = arith.constant 2 : i32
        %add3A_47 = arith.addi %mul3A_22, %add3A_46 : i32
        %dma_start3A_48 = arith.constant 0 : i32
        %dma_start3A_49 = tpu.memref_slice %arg8[%add3A_47, %dma_start3A_48] : memref<80x128xi32, #tpu.memory_space<vmem>> -> memref<1x128xi32, #tpu.memory_space<vmem>>
        %dma_start3A_50 = tpu.memref_squeeze %dma_start3A_49 : memref<1x128xi32, #tpu.memory_space<vmem>> -> memref<128xi32, #tpu.memory_space<vmem>>
        %dma_start3A_51 = arith.constant 0 : i32
        %dma_start3A_52 = arith.constant 0 : i32
        %dma_start3A_53 = tpu.memref_slice %arg6[%dma_start3A_51, %dma_start3A_52] : memref<10112x16xf32, #tpu.memory_space<vmem_shared>> -> memref<10112x16xf32, #tpu.memory_space<vmem_shared>>
        tpu.enqueue_indirect_dma source(%dma_start3A_53 : memref<10112x16xf32, #tpu.memory_space<vmem_shared>>) target(%arg10 : memref<128x16xf32, #tpu.memory_space<vmem>>) offsets(%dma_start3A_50 : memref<128xi32, #tpu.memory_space<vmem>>) semaphore(%arg12 : memref<!tpu.dma_semaphore, #tpu.memory_space<semaphore_mem>>)
      } else {
      }
      %dma_wait3A_40 = arith.constant 0 : i32
      %dma_wait3A_41 = tpu.memref_slice %arg8[%add3A_24, %dma_wait3A_40] : memref<80x128xi32, #tpu.memory_space<vmem>> -> memref<1x128xi32, #tpu.memory_space<vmem>>
      %dma_wait3A_42 = tpu.memref_squeeze %dma_wait3A_41 : memref<1x128xi32, #tpu.memory_space<vmem>> -> memref<128xi32, #tpu.memory_space<vmem>>
      %dma_wait3A_43 = arith.constant 0 : i32
      %dma_wait3A_44 = arith.constant 0 : i32
      %dma_wait3A_45 = tpu.memref_slice %arg6[%dma_wait3A_43, %dma_wait3A_44] : memref<10112x16xf32, #tpu.memory_space<vmem_shared>> -> memref<10112x16xf32, #tpu.memory_space<vmem_shared>>
      tpu.wait_indirect_dma semaphore(%arg13 : memref<!tpu.dma_semaphore, #tpu.memory_space<semaphore_mem>>) src(%dma_wait3A_45 : memref<10112x16xf32, #tpu.memory_space<vmem_shared>>) dst(%arg11 : memref<128x16xf32, #tpu.memory_space<vmem>>)
      "tpu.region"() ({
        %run_scoped3A_46 = tpu.sem_alloc : memref<!tpu.dma_semaphore, #tpu.memory_space<semaphore_mem>>
        %dma_start3A_47 = arith.constant 0 : i32
        %dma_start3A_48 = tpu.memref_slice %arg9[%add3A_24, %dma_start3A_47] : memref<80x128xi32, #tpu.memory_space<vmem>> -> memref<1x128xi32, #tpu.memory_space<vmem>>
        %dma_start3A_49 = tpu.memref_squeeze %dma_start3A_48 : memref<1x128xi32, #tpu.memory_space<vmem>> -> memref<128xi32, #tpu.memory_space<vmem>>
        %dma_start3A_50 = arith.constant 0 : i32
        %dma_start3A_51 = arith.constant 0 : i32
        %dma_start3A_52 = tpu.memref_slice %arg7[%dma_start3A_50, %dma_start3A_51] : memref<10112x16xf32, #tpu.memory_space<vmem_shared>> -> memref<10112x16xf32, #tpu.memory_space<vmem_shared>>
        tpu.enqueue_indirect_dma source(%arg11 : memref<128x16xf32, #tpu.memory_space<vmem>>) target(%dma_start3A_52 : memref<10112x16xf32, #tpu.memory_space<vmem_shared>>) offsets(%dma_start3A_49 : memref<128xi32, #tpu.memory_space<vmem>>) semaphore(%run_scoped3A_46 : memref<!tpu.dma_semaphore, #tpu.memory_space<semaphore_mem>>) {add = true}
        %dma_wait3A_53 = arith.constant 0 : i32
        %dma_wait3A_54 = tpu.memref_slice %arg9[%add3A_24, %dma_wait3A_53] : memref<80x128xi32, #tpu.memory_space<vmem>> -> memref<1x128xi32, #tpu.memory_space<vmem>>
        %dma_wait3A_55 = tpu.memref_squeeze %dma_wait3A_54 : memref<1x128xi32, #tpu.memory_space<vmem>> -> memref<128xi32, #tpu.memory_space<vmem>>
        %dma_wait3A_56 = arith.constant 0 : i32
        %dma_wait3A_57 = arith.constant 0 : i32
        %dma_wait3A_58 = tpu.memref_slice %arg7[%dma_wait3A_56, %dma_wait3A_57] : memref<10112x16xf32, #tpu.memory_space<vmem_shared>> -> memref<10112x16xf32, #tpu.memory_space<vmem_shared>>
        tpu.wait_indirect_dma semaphore(%run_scoped3A_46 : memref<!tpu.dma_semaphore, #tpu.memory_space<semaphore_mem>>) src(%arg11 : memref<128x16xf32, #tpu.memory_space<vmem>>) dst(%dma_wait3A_58 : memref<10112x16xf32, #tpu.memory_space<vmem_shared>>)
        tpu.yield
      }) : () -> ()
    }
    %scan3A_18 = arith.constant 40 : i32
    %barrier3A_19 = arith.constant 0 : index
    tpu.barrier barrier_id(%barrier3A_19)
    "tpu.region"() ({
      %run_scoped3A_20 = tpu.sem_alloc : memref<!tpu.dma_semaphore, #tpu.memory_space<semaphore_mem>>
      %dma_start3A_21 = arith.constant 0 : i32
      %dma_start3A_22 = tpu.memref_slice %arg5[%arg0, %mul3A_2, %dma_start3A_21] : memref<2x10112x16xf32, #tpu.memory_space<hbm>> -> memref<1x632x16xf32, #tpu.memory_space<hbm>>
      %dma_start3A_23 = tpu.memref_squeeze %dma_start3A_22 : memref<1x632x16xf32, #tpu.memory_space<hbm>> -> memref<632x16xf32, #tpu.memory_space<hbm>>
      %dma_start3A_24 = arith.constant 0 : i32
      %dma_start3A_25 = tpu.memref_slice %arg7[%mul3A_2, %dma_start3A_24] : memref<10112x16xf32, #tpu.memory_space<vmem_shared>> -> memref<632x16xf32, #tpu.memory_space<vmem_shared>>
      tpu.enqueue_dma source(%dma_start3A_25 : memref<632x16xf32, #tpu.memory_space<vmem_shared>>) target(%dma_start3A_23 : memref<632x16xf32, #tpu.memory_space<hbm>>) target_semaphore(%run_scoped3A_20 : memref<!tpu.dma_semaphore, #tpu.memory_space<semaphore_mem>>)
      %dma_wait3A = arith.constant 0 : i32
      %dma_wait3A_26 = tpu.memref_slice %arg5[%arg0, %mul3A_2, %dma_wait3A] : memref<2x10112x16xf32, #tpu.memory_space<hbm>> -> memref<1x632x16xf32, #tpu.memory_space<hbm>>
      %dma_wait3A_27 = tpu.memref_squeeze %dma_wait3A_26 : memref<1x632x16xf32, #tpu.memory_space<hbm>> -> memref<632x16xf32, #tpu.memory_space<hbm>>
      %dma_wait3A_28 = arith.constant 0 : i32
      %dma_wait3A_29 = tpu.memref_slice %arg7[%mul3A_2, %dma_wait3A_28] : memref<10112x16xf32, #tpu.memory_space<vmem_shared>> -> memref<632x16xf32, #tpu.memory_space<vmem_shared>>
      tpu.wait_dma2 semaphore(%run_scoped3A_20 : memref<!tpu.dma_semaphore, #tpu.memory_space<semaphore_mem>>) src(%dma_wait3A_29 : memref<632x16xf32, #tpu.memory_space<vmem_shared>>) dst(%dma_wait3A_27 : memref<632x16xf32, #tpu.memory_space<hbm>>)
      tpu.yield
    }) : () -> ()
    return
  }
}

module attributes {stable_mosaic.version = 14 : i64} {
  func.func @body(%arg0: i32, %arg1: memref<2000x128xf32, #tpu.memory_space<vmem>>, %arg2: memref<128x128xf32, #tpu.memory_space<vmem>>, %arg3: memref<128x128xf32, #tpu.memory_space<vmem>>, %arg4: memref<1x128xf32, #tpu.memory_space<vmem>>, %arg5: memref<128x128xf32, #tpu.memory_space<vmem>>, %arg6: memref<128x128xf32, #tpu.memory_space<vmem>>, %arg7: memref<128x16xf32, #tpu.memory_space<vmem>>, %arg8: memref<1x128xf32, #tpu.memory_space<vmem>>, %arg9: memref<1x16xf32, #tpu.memory_space<vmem>>, %arg10: memref<2000x96xbf16, #tpu.memory_space<vmem>>, %arg11: memref<2000x96xbf16, #tpu.memory_space<vmem>>, %arg12: memref<2000x128xf32, #tpu.memory_space<vmem>>, %arg13: memref<128x16xf32, #tpu.memory_space<vmem>>, %arg14: memref<128x16xf32, #tpu.memory_space<vmem>>, %arg15: memref<1x16xf32, #tpu.memory_space<vmem>>) attributes {dimension_semantics = [#tpu.dimension_semantics<arbitrary>], iteration_bounds = array<i64: 5>, scalar_prefetch = 0 : i64, scratch_operands = 0 : i64, tpu.core_type = #tpu.core_type<tc>, window_params = [{transform_indices = @transform_0, window_bounds = array<i64: 2000, 128>}, {pipeline_mode = #tpu.pipeline_mode<synchronous>, transform_indices = @transform_1, window_bounds = array<i64: 128, 128>}, {pipeline_mode = #tpu.pipeline_mode<synchronous>, transform_indices = @transform_2, window_bounds = array<i64: 128, 128>}, {pipeline_mode = #tpu.pipeline_mode<synchronous>, transform_indices = @transform_3, window_bounds = array<i64: 1, 128>}, {pipeline_mode = #tpu.pipeline_mode<synchronous>, transform_indices = @transform_4, window_bounds = array<i64: 128, 128>}, {pipeline_mode = #tpu.pipeline_mode<synchronous>, transform_indices = @transform_5, window_bounds = array<i64: 128, 128>}, {pipeline_mode = #tpu.pipeline_mode<synchronous>, transform_indices = @transform_6, window_bounds = array<i64: 128, 16>}, {pipeline_mode = #tpu.pipeline_mode<synchronous>, transform_indices = @transform_7, window_bounds = array<i64: 1, 128>}, {pipeline_mode = #tpu.pipeline_mode<synchronous>, transform_indices = @transform_8, window_bounds = array<i64: 1, 16>}, {transform_indices = @transform_9, window_bounds = array<i64: 2000, 96>}, {transform_indices = @transform_10, window_bounds = array<i64: 2000, 96>}, {transform_indices = @transform_11, window_bounds = array<i64: 2000, 128>}, {pipeline_mode = #tpu.pipeline_mode<synchronous>, transform_indices = @transform_12, window_bounds = array<i64: 128, 16>}, {pipeline_mode = #tpu.pipeline_mode<synchronous>, transform_indices = @transform_13, window_bounds = array<i64: 128, 16>}, {pipeline_mode = #tpu.pipeline_mode<synchronous>, transform_indices = @transform_14, window_bounds = array<i64: 1, 16>}]} {
    %get3A = arith.constant 0 : index
    %get3A_0 = arith.constant 0 : index
    %get3A_1 = vector.load %arg1[%get3A, %get3A_0] : memref<2000x128xf32, #tpu.memory_space<vmem>>, vector<2000x128xf32>
    %get3A_2 = arith.constant 0 : index
    %get3A_3 = arith.constant 0 : index
    %get3A_4 = vector.load %arg2[%get3A_2, %get3A_3] : memref<128x128xf32, #tpu.memory_space<vmem>>, vector<128x128xf32>
    %dot_general3A = arith.constant dense<0.000000e+00> : vector<2000x128xf32>
    %dot_general3A_5 = tpu.matmul %get3A_1, %get3A_4, %dot_general3A {dimension_numbers = #tpu.dot_dimension_numbers<[1], [0], [0], [1], [0, 0, 1, 1], [], []>, transpose_lhs_hint = false} : vector<2000x128xf32>, vector<128x128xf32>, vector<2000x128xf32> -> vector<2000x128xf32>
    %broadcast_in_dim3A = arith.constant 1.000000e+00 : f32
    %broadcast_in_dim3A_6 = vector.broadcast %broadcast_in_dim3A : f32 to vector<2000x1xf32>
    %broadcast_in_dim3A_7 = arith.constant 0.000000e+00 : f32
    %broadcast_in_dim3A_8 = vector.broadcast %broadcast_in_dim3A_7 : f32 to vector<2000x31xf32>
    %slice3A = vector.extract_strided_slice %dot_general3A_5 {offsets = [0, 0], sizes = [2000, 64], strides = [1, 1]} : vector<2000x128xf32> to vector<2000x64xf32>
    %concatenate3A = tpu.concatenate %slice3A, %broadcast_in_dim3A_6, %broadcast_in_dim3A_8 in 1 : vector<2000x64xf32>, vector<2000x1xf32>, vector<2000x31xf32> -> vector<2000x96xf32>
    %convert_element_type3A = arith.truncf %concatenate3A : vector<2000x96xf32> to vector<2000x96xbf16>
    %swap3A = arith.constant 0 : index
    %swap3A_9 = arith.constant 0 : index
    %swap3A_10 = vector.load %arg10[%swap3A, %swap3A_9] : memref<2000x96xbf16, #tpu.memory_space<vmem>>, vector<2000x96xbf16>
    tpu.vector_store %arg10[%swap3A, %swap3A_9], %convert_element_type3A {strides = array<i32>} : memref<2000x96xbf16, #tpu.memory_space<vmem>>, vector<2000x96xbf16>,
    %slice3A_11 = vector.extract_strided_slice %dot_general3A_5 {offsets = [0, 64], sizes = [2000, 64], strides = [1, 1]} : vector<2000x128xf32> to vector<2000x64xf32>
    %concatenate3A_12 = tpu.concatenate %slice3A_11, %broadcast_in_dim3A_6, %broadcast_in_dim3A_8 in 1 : vector<2000x64xf32>, vector<2000x1xf32>, vector<2000x31xf32> -> vector<2000x96xf32>
    %convert_element_type3A_13 = arith.truncf %concatenate3A_12 : vector<2000x96xf32> to vector<2000x96xbf16>
    %swap3A_14 = arith.constant 0 : index
    %swap3A_15 = arith.constant 0 : index
    %swap3A_16 = vector.load %arg11[%swap3A_14, %swap3A_15] : memref<2000x96xbf16, #tpu.memory_space<vmem>>, vector<2000x96xbf16>
    tpu.vector_store %arg11[%swap3A_14, %swap3A_15], %convert_element_type3A_13 {strides = array<i32>} : memref<2000x96xbf16, #tpu.memory_space<vmem>>, vector<2000x96xbf16>,
    %get3A_17 = arith.constant 0 : index
    %get3A_18 = arith.constant 0 : index
    %get3A_19 = vector.load %arg3[%get3A_17, %get3A_18] : memref<128x128xf32, #tpu.memory_space<vmem>>, vector<128x128xf32>
    %dot_general3A_20 = arith.constant dense<0.000000e+00> : vector<2000x128xf32>
    %dot_general3A_21 = tpu.matmul %get3A_1, %get3A_19, %dot_general3A_20 {dimension_numbers = #tpu.dot_dimension_numbers<[1], [0], [0], [1], [0, 0, 1, 1], [], []>, transpose_lhs_hint = false} : vector<2000x128xf32>, vector<128x128xf32>, vector<2000x128xf32> -> vector<2000x128xf32>
    %get3A_22 = arith.constant 0 : index
    %get3A_23 = arith.constant 0 : index
    %get3A_24 = vector.load %arg4[%get3A_22, %get3A_23] : memref<1x128xf32, #tpu.memory_space<vmem>>, vector<1x128xf32>
    %add3A = vector.broadcast %get3A_24 : vector<1x128xf32> to vector<2000x128xf32>
    %add3A_25 = arith.addf %dot_general3A_21, %add3A : vector<2000x128xf32>
    %swap3A_26 = arith.constant 0 : index
    %swap3A_27 = arith.constant 0 : index
    %swap3A_28 = vector.load %arg12[%swap3A_26, %swap3A_27] : memref<2000x128xf32, #tpu.memory_space<vmem>>, vector<2000x128xf32>
    tpu.vector_store %arg12[%swap3A_26, %swap3A_27], %add3A_25 {strides = array<i32>} : memref<2000x128xf32, #tpu.memory_space<vmem>>, vector<2000x128xf32>,
    %get3A_29 = arith.constant 0 : index
    %get3A_30 = arith.constant 0 : index
    %get3A_31 = vector.load %arg5[%get3A_29, %get3A_30] : memref<128x128xf32, #tpu.memory_space<vmem>>, vector<128x128xf32>
    %get3A_32 = arith.constant 0 : index
    %get3A_33 = arith.constant 0 : index
    %get3A_34 = vector.load %arg7[%get3A_32, %get3A_33] : memref<128x16xf32, #tpu.memory_space<vmem>>, vector<128x16xf32>
    %dot_general3A_35 = arith.constant dense<0.000000e+00> : vector<128x16xf32>
    %dot_general3A_36 = tpu.matmul %get3A_31, %get3A_34, %dot_general3A_35 {dimension_numbers = #tpu.dot_dimension_numbers<[1], [0], [0], [1], [0, 0, 1, 1], [], []>, transpose_lhs_hint = false} : vector<128x128xf32>, vector<128x16xf32>, vector<128x16xf32> -> vector<128x16xf32>
    %swap3A_37 = arith.constant 0 : index
    %swap3A_38 = arith.constant 0 : index
    %swap3A_39 = vector.load %arg13[%swap3A_37, %swap3A_38] : memref<128x16xf32, #tpu.memory_space<vmem>>, vector<128x16xf32>
    tpu.vector_store %arg13[%swap3A_37, %swap3A_38], %dot_general3A_36 {strides = array<i32>} : memref<128x16xf32, #tpu.memory_space<vmem>>, vector<128x16xf32>,
    %get3A_40 = arith.constant 0 : index
    %get3A_41 = arith.constant 0 : index
    %get3A_42 = vector.load %arg6[%get3A_40, %get3A_41] : memref<128x128xf32, #tpu.memory_space<vmem>>, vector<128x128xf32>
    %get3A_43 = arith.constant 0 : index
    %get3A_44 = arith.constant 0 : index
    %get3A_45 = vector.load %arg7[%get3A_43, %get3A_44] : memref<128x16xf32, #tpu.memory_space<vmem>>, vector<128x16xf32>
    %dot_general3A_46 = arith.constant dense<0.000000e+00> : vector<128x16xf32>
    %dot_general3A_47 = tpu.matmul %get3A_42, %get3A_45, %dot_general3A_46 {dimension_numbers = #tpu.dot_dimension_numbers<[1], [0], [0], [1], [0, 0, 1, 1], [], []>, transpose_lhs_hint = false} : vector<128x128xf32>, vector<128x16xf32>, vector<128x16xf32> -> vector<128x16xf32>
    %swap3A_48 = arith.constant 0 : index
    %swap3A_49 = arith.constant 0 : index
    %swap3A_50 = vector.load %arg14[%swap3A_48, %swap3A_49] : memref<128x16xf32, #tpu.memory_space<vmem>>, vector<128x16xf32>
    tpu.vector_store %arg14[%swap3A_48, %swap3A_49], %dot_general3A_47 {strides = array<i32>} : memref<128x16xf32, #tpu.memory_space<vmem>>, vector<128x16xf32>,
    %get3A_51 = arith.constant 0 : index
    %get3A_52 = arith.constant 0 : index
    %get3A_53 = vector.load %arg8[%get3A_51, %get3A_52] : memref<1x128xf32, #tpu.memory_space<vmem>>, vector<1x128xf32>
    %get3A_54 = arith.constant 0 : index
    %get3A_55 = arith.constant 0 : index
    %get3A_56 = vector.load %arg7[%get3A_54, %get3A_55] : memref<128x16xf32, #tpu.memory_space<vmem>>, vector<128x16xf32>
    %dot_general3A_57 = arith.constant dense<0.000000e+00> : vector<1x16xf32>
    %dot_general3A_58 = tpu.matmul %get3A_53, %get3A_56, %dot_general3A_57 {dimension_numbers = #tpu.dot_dimension_numbers<[1], [0], [0], [1], [0, 0, 1, 1], [], []>, transpose_lhs_hint = false} : vector<1x128xf32>, vector<128x16xf32>, vector<1x16xf32> -> vector<1x16xf32>
    %get3A_59 = arith.constant 0 : index
    %get3A_60 = arith.constant 0 : index
    %get3A_61 = vector.load %arg9[%get3A_59, %get3A_60] : memref<1x16xf32, #tpu.memory_space<vmem>>, vector<1x16xf32>
    %add3A_62 = arith.addf %dot_general3A_58, %get3A_61 : vector<1x16xf32>
    %swap3A_63 = arith.constant 0 : index
    %swap3A_64 = arith.constant 0 : index
    %swap3A_65 = vector.load %arg15[%swap3A_63, %swap3A_64] : memref<1x16xf32, #tpu.memory_space<vmem>>, vector<1x16xf32>
    tpu.vector_store %arg15[%swap3A_63, %swap3A_64], %add3A_62 {strides = array<i32>} : memref<1x16xf32, #tpu.memory_space<vmem>>, vector<1x16xf32>,
    return
  }
  func.func @transform_0(%arg0: i32) -> (i32, i32) {
    %c0_i32 = arith.constant 0 : i32
    %c0_i32_0 = arith.constant 0 : i32
    return %arg0, %c0_i32 : i32, i32
  }
  func.func @transform_1(%arg0: i32) -> (i32, i32) {
    %c0_i32 = arith.constant 0 : i32
    %c0_i32_0 = arith.constant 0 : i32
    %c0_i32_1 = arith.constant 0 : i32
    return %c0_i32, %c0_i32_0 : i32, i32
  }
  func.func @transform_2(%arg0: i32) -> (i32, i32) {
    %c0_i32 = arith.constant 0 : i32
    %c0_i32_0 = arith.constant 0 : i32
    %c0_i32_1 = arith.constant 0 : i32
    return %c0_i32, %c0_i32_0 : i32, i32
  }
  func.func @transform_3(%arg0: i32) -> (i32, i32) {
    %c0_i32 = arith.constant 0 : i32
    %c0_i32_0 = arith.constant 0 : i32
    %c0_i32_1 = arith.constant 0 : i32
    return %c0_i32, %c0_i32_0 : i32, i32
  }
  func.func @transform_4(%arg0: i32) -> (i32, i32) {
    %c0_i32 = arith.constant 0 : i32
    %c0_i32_0 = arith.constant 0 : i32
    %c0_i32_1 = arith.constant 0 : i32
    return %c0_i32, %c0_i32_0 : i32, i32
  }
  func.func @transform_5(%arg0: i32) -> (i32, i32) {
    %c0_i32 = arith.constant 0 : i32
    %c0_i32_0 = arith.constant 0 : i32
    %c0_i32_1 = arith.constant 0 : i32
    return %c0_i32, %c0_i32_0 : i32, i32
  }
  func.func @transform_6(%arg0: i32) -> (i32, i32) {
    %c0_i32 = arith.constant 0 : i32
    %c0_i32_0 = arith.constant 0 : i32
    %c0_i32_1 = arith.constant 0 : i32
    return %c0_i32, %c0_i32_0 : i32, i32
  }
  func.func @transform_7(%arg0: i32) -> (i32, i32) {
    %c0_i32 = arith.constant 0 : i32
    %c0_i32_0 = arith.constant 0 : i32
    %c0_i32_1 = arith.constant 0 : i32
    return %c0_i32, %c0_i32_0 : i32, i32
  }
  func.func @transform_8(%arg0: i32) -> (i32, i32) {
    %c0_i32 = arith.constant 0 : i32
    %c0_i32_0 = arith.constant 0 : i32
    %c0_i32_1 = arith.constant 0 : i32
    return %c0_i32, %c0_i32_0 : i32, i32
  }
  func.func @transform_9(%arg0: i32) -> (i32, i32) {
    %c0_i32 = arith.constant 0 : i32
    %c0_i32_0 = arith.constant 0 : i32
    return %arg0, %c0_i32 : i32, i32
  }
  func.func @transform_10(%arg0: i32) -> (i32, i32) {
    %c0_i32 = arith.constant 0 : i32
    %c0_i32_0 = arith.constant 0 : i32
    return %arg0, %c0_i32 : i32, i32
  }
  func.func @transform_11(%arg0: i32) -> (i32, i32) {
    %c0_i32 = arith.constant 0 : i32
    %c0_i32_0 = arith.constant 0 : i32
    return %arg0, %c0_i32 : i32, i32
  }
  func.func @transform_12(%arg0: i32) -> (i32, i32) {
    %c0_i32 = arith.constant 0 : i32
    %c0_i32_0 = arith.constant 0 : i32
    %c0_i32_1 = arith.constant 0 : i32
    return %c0_i32, %c0_i32_0 : i32, i32
  }
  func.func @transform_13(%arg0: i32) -> (i32, i32) {
    %c0_i32 = arith.constant 0 : i32
    %c0_i32_0 = arith.constant 0 : i32
    %c0_i32_1 = arith.constant 0 : i32
    return %c0_i32, %c0_i32_0 : i32, i32
  }
  func.func @transform_14(%arg0: i32) -> (i32, i32) {
    %c0_i32 = arith.constant 0 : i32
    %c0_i32_0 = arith.constant 0 : i32
    %c0_i32_1 = arith.constant 0 : i32
    return %c0_i32, %c0_i32_0 : i32, i32
  }
}

module attributes {stable_mosaic.version = 14 : i64} {
  func.func @body(%arg0: i32, %arg1: memref<2x2000x96xbf16, #tpu.memory_space<vmem>>, %arg2: memref<2000x128xf32, #tpu.memory_space<vmem>>, %arg3: memref<128x16xf32, #tpu.memory_space<vmem>>, %arg4: memref<128x16xf32, #tpu.memory_space<vmem>>, %arg5: memref<1x16xf32, #tpu.memory_space<vmem>>, %arg6: memref<2000x16xf32, #tpu.memory_space<vmem>>, %arg7: memref<2000x16xf32, #tpu.memory_space<vmem>>, %arg8: memref<2000x1xf32, #tpu.memory_space<vmem>>) attributes {dimension_semantics = [#tpu.dimension_semantics<arbitrary>], iteration_bounds = array<i64: 5>, scalar_prefetch = 0 : i64, scratch_operands = 0 : i64, tpu.core_type = #tpu.core_type<tc>, window_params = [{transform_indices = @transform_0, window_bounds = array<i64: 2, 2000, 96>}, {transform_indices = @transform_1, window_bounds = array<i64: 2000, 128>}, {pipeline_mode = #tpu.pipeline_mode<synchronous>, transform_indices = @transform_2, window_bounds = array<i64: 128, 16>}, {pipeline_mode = #tpu.pipeline_mode<synchronous>, transform_indices = @transform_3, window_bounds = array<i64: 128, 16>}, {pipeline_mode = #tpu.pipeline_mode<synchronous>, transform_indices = @transform_4, window_bounds = array<i64: 1, 16>}, {transform_indices = @transform_5, window_bounds = array<i64: 2000, 16>}, {transform_indices = @transform_6, window_bounds = array<i64: 2000, 16>}, {transform_indices = @transform_7, window_bounds = array<i64: 2000, 1>}]} {
    %get3A = arith.constant 0 : index
    %get3A_0 = arith.constant 0 : index
    %get3A_1 = arith.constant 0 : index
    %get3A_2 = vector.load %arg1[%get3A, %get3A_0, %get3A_1] : memref<2x2000x96xbf16, #tpu.memory_space<vmem>>, vector<1x2000x96xbf16>
    %get3A_3 = vector.shape_cast %get3A_2 : vector<1x2000x96xbf16> to vector<2000x96xbf16>
    %convert_element_type3A = arith.extf %get3A_3 : vector<2000x96xbf16> to vector<2000x96xf32>
    %get3A_4 = arith.constant 1 : index
    %get3A_5 = arith.constant 0 : index
    %get3A_6 = arith.constant 0 : index
    %get3A_7 = vector.load %arg1[%get3A_4, %get3A_5, %get3A_6] : memref<2x2000x96xbf16, #tpu.memory_space<vmem>>, vector<1x2000x96xbf16>
    %get3A_8 = vector.shape_cast %get3A_7 : vector<1x2000x96xbf16> to vector<2000x96xbf16>
    %convert_element_type3A_9 = arith.extf %get3A_8 : vector<2000x96xbf16> to vector<2000x96xf32>
    %slice3A = vector.extract_strided_slice %convert_element_type3A {offsets = [0, 64], sizes = [2000, 1], strides = [1, 1]} : vector<2000x96xf32> to vector<2000x1xf32>
    %max3A = arith.constant 1.000000e+00 : f32
    %max3A_10 = vector.broadcast %max3A : f32 to vector<2000x1xf32>
    %max3A_11 = arith.maximumf %slice3A, %max3A_10 : vector<2000x1xf32>
    %div3A = arith.constant 1.000000e+00 : f32
    %div3A_12 = vector.broadcast %div3A : f32 to vector<2000x1xf32>
    %div3A_13 = arith.divf %div3A_12, %max3A_11 : vector<2000x1xf32>
    %slice3A_14 = vector.extract_strided_slice %convert_element_type3A {offsets = [0, 0], sizes = [2000, 64], strides = [1, 1]} : vector<2000x96xf32> to vector<2000x64xf32>
    %slice3A_15 = vector.extract_strided_slice %convert_element_type3A_9 {offsets = [0, 0], sizes = [2000, 64], strides = [1, 1]} : vector<2000x96xf32> to vector<2000x64xf32>
    %concatenate3A = tpu.concatenate %slice3A_14, %slice3A_15 in 1 : vector<2000x64xf32>, vector<2000x64xf32> -> vector<2000x128xf32>
    %mul3A = vector.broadcast %div3A_13 : vector<2000x1xf32> to vector<2000x128xf32>
    %mul3A_16 = arith.mulf %concatenate3A, %mul3A : vector<2000x128xf32>
    %get3A_17 = arith.constant 0 : index
    %get3A_18 = arith.constant 0 : index
    %get3A_19 = vector.load %arg2[%get3A_17, %get3A_18] : memref<2000x128xf32, #tpu.memory_space<vmem>>, vector<2000x128xf32>
    %add3A = arith.addf %mul3A_16, %get3A_19 : vector<2000x128xf32>
    %max3A_20 = arith.constant 0.000000e+00 : f32
    %max3A_21 = vector.broadcast %max3A_20 : f32 to vector<2000x128xf32>
    %max3A_22 = arith.maximumf %add3A, %max3A_21 : vector<2000x128xf32>
    %get3A_23 = arith.constant 0 : index
    %get3A_24 = arith.constant 0 : index
    %get3A_25 = vector.load %arg3[%get3A_23, %get3A_24] : memref<128x16xf32, #tpu.memory_space<vmem>>, vector<128x16xf32>
    %dot_general3A = arith.constant dense<0.000000e+00> : vector<2000x16xf32>
    %dot_general3A_26 = tpu.matmul %max3A_22, %get3A_25, %dot_general3A {dimension_numbers = #tpu.dot_dimension_numbers<[1], [0], [0], [1], [0, 0, 1, 1], [], []>, transpose_lhs_hint = false} : vector<2000x128xf32>, vector<128x16xf32>, vector<2000x16xf32> -> vector<2000x16xf32>
    %swap3A = arith.constant 0 : index
    %swap3A_27 = arith.constant 0 : index
    %swap3A_28 = vector.load %arg6[%swap3A, %swap3A_27] : memref<2000x16xf32, #tpu.memory_space<vmem>>, vector<2000x16xf32>
    tpu.vector_store %arg6[%swap3A, %swap3A_27], %dot_general3A_26 {strides = array<i32>} : memref<2000x16xf32, #tpu.memory_space<vmem>>, vector<2000x16xf32>,
    %get3A_29 = arith.constant 0 : index
    %get3A_30 = arith.constant 0 : index
    %get3A_31 = vector.load %arg4[%get3A_29, %get3A_30] : memref<128x16xf32, #tpu.memory_space<vmem>>, vector<128x16xf32>
    %dot_general3A_32 = arith.constant dense<0.000000e+00> : vector<2000x16xf32>
    %dot_general3A_33 = tpu.matmul %max3A_22, %get3A_31, %dot_general3A_32 {dimension_numbers = #tpu.dot_dimension_numbers<[1], [0], [0], [1], [0, 0, 1, 1], [], []>, transpose_lhs_hint = false} : vector<2000x128xf32>, vector<128x16xf32>, vector<2000x16xf32> -> vector<2000x16xf32>
    %get3A_34 = arith.constant 0 : index
    %get3A_35 = arith.constant 0 : index
    %get3A_36 = vector.load %arg5[%get3A_34, %get3A_35] : memref<1x16xf32, #tpu.memory_space<vmem>>, vector<1x16xf32>
    %add3A_37 = vector.broadcast %get3A_36 : vector<1x16xf32> to vector<2000x16xf32>
    %add3A_38 = arith.addf %dot_general3A_33, %add3A_37 : vector<2000x16xf32>
    %swap3A_39 = arith.constant 0 : index
    %swap3A_40 = arith.constant 0 : index
    %swap3A_41 = vector.load %arg7[%swap3A_39, %swap3A_40] : memref<2000x16xf32, #tpu.memory_space<vmem>>, vector<2000x16xf32>
    tpu.vector_store %arg7[%swap3A_39, %swap3A_40], %add3A_38 {strides = array<i32>} : memref<2000x16xf32, #tpu.memory_space<vmem>>, vector<2000x16xf32>,
    %swap3A_42 = arith.constant 0 : index
    %swap3A_43 = arith.constant 0 : index
    %swap3A_44 = vector.load %arg8[%swap3A_42, %swap3A_43] : memref<2000x1xf32, #tpu.memory_space<vmem>>, vector<2000x1xf32>
    tpu.vector_store %arg8[%swap3A_42, %swap3A_43], %div3A_13 {strides = array<i32>} : memref<2000x1xf32, #tpu.memory_space<vmem>>, vector<2000x1xf32>,
    return
  }
  func.func @transform_0(%arg0: i32) -> (i32, i32, i32) {
    %c0_i32 = arith.constant 0 : i32
    %c0_i32_0 = arith.constant 0 : i32
    %c0_i32_1 = arith.constant 0 : i32
    return %c0_i32, %arg0, %c0_i32_0 : i32, i32, i32
  }
  func.func @transform_1(%arg0: i32) -> (i32, i32) {
    %c0_i32 = arith.constant 0 : i32
    %c0_i32_0 = arith.constant 0 : i32
    return %arg0, %c0_i32 : i32, i32
  }
  func.func @transform_2(%arg0: i32) -> (i32, i32) {
    %c0_i32 = arith.constant 0 : i32
    %c0_i32_0 = arith.constant 0 : i32
    %c0_i32_1 = arith.constant 0 : i32
    return %c0_i32, %c0_i32_0 : i32, i32
  }
  func.func @transform_3(%arg0: i32) -> (i32, i32) {
    %c0_i32 = arith.constant 0 : i32
    %c0_i32_0 = arith.constant 0 : i32
    %c0_i32_1 = arith.constant 0 : i32
    return %c0_i32, %c0_i32_0 : i32, i32
  }
  func.func @transform_4(%arg0: i32) -> (i32, i32) {
    %c0_i32 = arith.constant 0 : i32
    %c0_i32_0 = arith.constant 0 : i32
    %c0_i32_1 = arith.constant 0 : i32
    return %c0_i32, %c0_i32_0 : i32, i32
  }
  func.func @transform_5(%arg0: i32) -> (i32, i32) {
    %c0_i32 = arith.constant 0 : i32
    %c0_i32_0 = arith.constant 0 : i32
    return %arg0, %c0_i32 : i32, i32
  }
  func.func @transform_6(%arg0: i32) -> (i32, i32) {
    %c0_i32 = arith.constant 0 : i32
    %c0_i32_0 = arith.constant 0 : i32
    return %arg0, %c0_i32 : i32, i32
  }
  func.func @transform_7(%arg0: i32) -> (i32, i32) {
    %c0_i32 = arith.constant 0 : i32
    %c0_i32_0 = arith.constant 0 : i32
    return %arg0, %c0_i32 : i32, i32
  }
}

module attributes {stable_mosaic.version = 14 : i64} {
  func.func @body(%arg0: i32, %arg1: memref<2x2000x16xf32, #tpu.memory_space<vmem>>, %arg2: memref<2000x16xf32, #tpu.memory_space<vmem>>, %arg3: memref<2000x1xf32, #tpu.memory_space<vmem>>, %arg4: memref<2000x10xf32, #tpu.memory_space<vmem>>) attributes {dimension_semantics = [#tpu.dimension_semantics<arbitrary>], iteration_bounds = array<i64: 5>, scalar_prefetch = 0 : i64, scratch_operands = 0 : i64, tpu.core_type = #tpu.core_type<tc>, window_params = [{transform_indices = @transform_0, window_bounds = array<i64: 2, 2000, 16>}, {transform_indices = @transform_1, window_bounds = array<i64: 2000, 16>}, {transform_indices = @transform_2, window_bounds = array<i64: 2000, 1>}, {transform_indices = @transform_3, window_bounds = array<i64: 2000, 10>}]} {
    %get3A = arith.constant 0 : index
    %get3A_0 = arith.constant 0 : index
    %get3A_1 = arith.constant 0 : index
    %get3A_2 = vector.load %arg1[%get3A, %get3A_0, %get3A_1] : memref<2x2000x16xf32, #tpu.memory_space<vmem>>, vector<1x2000x16xf32>
    %get3A_3 = vector.shape_cast %get3A_2 : vector<1x2000x16xf32> to vector<2000x16xf32>
    %get3A_4 = arith.constant 1 : index
    %get3A_5 = arith.constant 0 : index
    %get3A_6 = arith.constant 0 : index
    %get3A_7 = vector.load %arg1[%get3A_4, %get3A_5, %get3A_6] : memref<2x2000x16xf32, #tpu.memory_space<vmem>>, vector<1x2000x16xf32>
    %get3A_8 = vector.shape_cast %get3A_7 : vector<1x2000x16xf32> to vector<2000x16xf32>
    %add3A = arith.addf %get3A_3, %get3A_8 : vector<2000x16xf32>
    %get3A_9 = arith.constant 0 : index
    %get3A_10 = arith.constant 0 : index
    %get3A_11 = vector.load %arg3[%get3A_9, %get3A_10] : memref<2000x1xf32, #tpu.memory_space<vmem>>, vector<2000x1xf32>
    %mul3A = vector.broadcast %get3A_11 : vector<2000x1xf32> to vector<2000x16xf32>
    %mul3A_12 = arith.mulf %add3A, %mul3A : vector<2000x16xf32>
    %get3A_13 = arith.constant 0 : index
    %get3A_14 = arith.constant 0 : index
    %get3A_15 = vector.load %arg2[%get3A_13, %get3A_14] : memref<2000x16xf32, #tpu.memory_space<vmem>>, vector<2000x16xf32>
    %add3A_16 = arith.addf %mul3A_12, %get3A_15 : vector<2000x16xf32>
    %slice3A = vector.extract_strided_slice %add3A_16 {offsets = [0, 0], sizes = [2000, 10], strides = [1, 1]} : vector<2000x16xf32> to vector<2000x10xf32>
    %swap3A = arith.constant 0 : index
    %swap3A_17 = arith.constant 0 : index
    %swap3A_18 = vector.load %arg4[%swap3A, %swap3A_17] : memref<2000x10xf32, #tpu.memory_space<vmem>>, vector<2000x10xf32>
    tpu.vector_store %arg4[%swap3A, %swap3A_17], %slice3A {strides = array<i32>} : memref<2000x10xf32, #tpu.memory_space<vmem>>, vector<2000x10xf32>,
    return
  }
  func.func @transform_0(%arg0: i32) -> (i32, i32, i32) {
    %c0_i32 = arith.constant 0 : i32
    %c0_i32_0 = arith.constant 0 : i32
    %c0_i32_1 = arith.constant 0 : i32
    return %c0_i32, %arg0, %c0_i32_0 : i32, i32, i32
  }
  func.func @transform_1(%arg0: i32) -> (i32, i32) {
    %c0_i32 = arith.constant 0 : i32
    %c0_i32_0 = arith.constant 0 : i32
    return %arg0, %c0_i32 : i32, i32
  }
  func.func @transform_2(%arg0: i32) -> (i32, i32) {
    %c0_i32 = arith.constant 0 : i32
    %c0_i32_0 = arith.constant 0 : i32
    return %arg0, %c0_i32 : i32, i32
  }
  func.func @transform_3(%arg0: i32) -> (i32, i32) {
    %c0_i32 = arith.constant 0 : i32
    %c0_i32_0 = arith.constant 0 : i32
    return %arg0, %c0_i32 : i32, i32
  }
}

</mosaic_0001>

<sc_bundles>
// kernel: kernel.10.cloned.1.call-start
scs
__scs_entry_jumppad:
0x0: {  	(pc) =	sbr.rel $0x88, $3  }
0x1: {  	(tag) =	ssettag $0x0;
	lr =	simm.s32 $0x1  }
0x2: {  	[smem:$0x3F97] =	sst lr;
	_ =	strace $0xD0000000  }
0x3: {  	_ = 	snop  }
0x4: {  	_ = 	snop  }
0x5: {  	_ = 	snop  }
0x6: {  	_ = 	snop  }
0x7: {  	_ = 	snop  }
__scs_overlays_trampoline_lowered:
0x8: {  	[smem:$0x3FA6] =	sst s0  }
0x9: {  	[smem:$0x3FA7] =	sst s1  }
0xa: {  	[smem:$0x3FA8] =	sst s2  }
0xb: {  	[smem:$0x3FA9] =	sst s3  }
0xc: {  	[smem:$0x3FAA] =	sst s4  }
0xd: {  	[smem:$0x3FAB] =	sst s5  }
0xe: {  	[smem:$0x3FAC] =	sst s6  }
0xf: {  	[smem:$0x3FAD] =	sst s7  }
0x10: {  	[smem:$0x3FAE] =	sst s8  }
0x11: {  	[smem:$0x3FAF] =	sst s9;
	s0 =	simm.s32 @!p0 $0x0  }
0x12: {  	s1 =	sld [smem:$0x3F95];
	s0 =	simm.s32 @p0 $0x1  }
0x13: {  	[smem:$0x3FB0] =	sst s0;
	s0 =	simm.s32 @!p1 $0x0  }
0x14: {  	s2 =	sld [smem:$0x3F94];
	s0 =	simm.s32 @p1 $0x1  }
0x15: {  	[smem:$0x3FB1] =	sst s0;
	s0 =	simm.s32 @!p2 $0x0  }
0x16: {  	s3 =	sld [smem:$0x3FDB];
	s0 =	simm.s32 @p2 $0x1  }
0x17: {  	s4 =	simm.s32 $0x1BF5;
	[smem:$0x3FB3] =	sst s0  }
0x18: {  	s0 =	sld [smem:$0x3F96];
	_ =	swait.ge [sflag:s4], $0x0  }
0x19: {  	s7 =	sld [smem:$0x3F97]  }
0x1a: {  	s8 =	sadd.s32 $0xFFFFE003, lr  }
0x1b: {  	s9 =	sadd.s32 $0xFFFFFEF7, lr;
	s5 =	simm.s32 $0xFFFFFFFF;
	p2 =	slt.u32 s8, $0xFFFFF086  }
0x1c: {  	p1 =	slt.u32 s9, $0xF7A;
	s5 =	simm.s32 @!p2 $0x0  }
0x1d: {  	s5 =	simm.s32 @p1 $0x1;
	p0 =	seq.s32 s7, s2  }
0x1e: {  	s7 =	smul.u32 @!p0 $0xF7A, s2;
	p2 =	seq.s32 @!p0 s5, $0x0  }
0x1f: {  	s9 =	smul.u32 $0xF7A, s1;
	s8 =	simm.s32 @!p0 $0x1BF5;
	p2 =	por !p2, p0  }
0x20: {  	[sflag:s8] =	ssyncset.s32 @!p0 $0xFFFFF086;
	s6 =	sadd.s32 @!p0 s3, s7;
	s7 =	simm.s32 @!p0 $0x108  }
0x21: {  	s3 =	sadd.s32 s3, s9;
	s6 =	sadd.s32 @!p0 $0x88, s6;
	s7 =	simm.s32 @p2 $0x1082  }
0x22: {  	[simem:s7], [sflag:s8] =	dma.local @!p0 [hbm:s6], $0xF7A  }
0x23: {  	s9 =	sor.u32 $0xD0000000, s2;
	s6 =	simm.s32 $0x108;
	_ =	swait.ge @!p0 [sflag:s8], $0x0  }
0x24: {  	s3 =	sadd.s32 $0x88, s3;
	s6 =	simm.s32 @!p1 $0x1082;
	[sflag:s4] =	ssyncset.s32 $0xFFFFF086  }
0x25: {  	[simem:s6], [sflag:s4] =	dma.local [hbm:s3], $0xF7A  }
0x26: {  	[smem:$0x3F97] =	sst s1;
	(tag) =	ssettag s2;
	_ =	strace s9  }
0x27: {  	s1 =	sld [smem:$0x3FA7]  }
0x28: {  	s2 =	sld [smem:$0x3FA8]  }
0x29: {  	s4 =	sld [smem:$0x3FAA]  }
0x2a: {  	p0 =	seq.s32 s5, $0x0;
	s5 =	sld [smem:$0x3FAB]  }
0x2b: {  	s6 =	sld [smem:$0x3FAC]  }
0x2c: {  	s7 =	sld [smem:$0x3FAD]  }
0x2d: {  	s3 =	simm.s32 $0x108;
	s8 =	sld [smem:$0x3FAE]  }
0x2e: {  	s3 =	simm.s32 @!p0 $0x1082;
	s9 =	sld [smem:$0x3FAF]  }
0x2f: {  	lr =	sadd.s32 s0, s3;
	s0 =	sld [smem:$0x3FA6]  }
0x30: {  	s3 =	sld [smem:$0x3FA9]  }
0x31: {  	[smem:$0x3FB2] =	sst s10  }
0x32: {  	s10 =	sld [smem:$0x3FB0];
	_ =	sdelay $0x3  }
0x33: {  	p0 =	seq.s32 s10, $0x1;
	s10 =	sld [smem:$0x3FB2];
	_ =	sdelay $0x3  }
0x34: {  	[smem:$0x3FB2] =	sst s10  }
0x35: {  	s10 =	sld [smem:$0x3FB1];
	_ =	sdelay $0x3  }
0x36: {  	p1 =	seq.s32 s10, $0x1;
	s10 =	sld [smem:$0x3FB2];
	_ =	sdelay $0x3  }
0x37: {  	[smem:$0x3FB2] =	sst s10  }
0x38: {  	s10 =	sld [smem:$0x3FB3]  }
0x39: {  	_ = 	snop;
	(pc) =	sbr.ind lr, $3  }
0x3a: {  	_ = 	snop  }
0x3b: {  	_ = 	snop  }
0x3c: {  	p2 =	seq.s32 s10, $0x1;
	s10 =	sld [smem:$0x3FB2]  }
0x3d: {  	_ =	shalt  }
0x3e: {  	_ =	shalt  }
0x3f: {  	_ =	shalt  }
0x40: {  	_ =	shalt  }
0x41: {  	_ =	shalt  }
0x42: {  	_ =	shalt  }
0x43: {  	_ =	shalt  }
0x44: {  	_ =	shalt  }
0x45: {  	_ =	shalt  }
0x46: {  	_ =	shalt  }
0x47: {  	_ =	shalt  }
0x48: {  	_ =	shalt  }
0x49: {  	_ =	shalt  }
0x4a: {  	_ =	shalt  }
0x4b: {  	_ =	shalt  }
0x4c: {  	_ =	shalt  }
0x4d: {  	_ =	shalt  }
0x4e: {  	_ =	shalt  }
0x4f: {  	_ =	shalt  }
0x50: {  	_ =	shalt  }
0x51: {  	_ =	shalt  }
0x52: {  	_ =	shalt  }
0x53: {  	_ =	shalt  }
0x54: {  	_ =	shalt  }
0x55: {  	_ =	shalt  }
0x56: {  	_ =	shalt  }
0x57: {  	_ =	shalt  }
0x58: {  	_ =	shalt  }
0x59: {  	_ =	shalt  }
0x5a: {  	_ =	shalt  }
0x5b: {  	_ =	shalt  }
0x5c: {  	_ =	shalt  }
0x5d: {  	_ =	shalt  }
0x5e: {  	_ =	shalt  }
0x5f: {  	_ =	shalt  }
0x60: {  	_ =	shalt  }
0x61: {  	_ =	shalt  }
0x62: {  	_ =	shalt  }
0x63: {  	_ =	shalt  }
0x64: {  	_ =	shalt  }
0x65: {  	_ =	shalt  }
0x66: {  	_ =	shalt  }
0x67: {  	_ =	shalt  }
0x68: {  	_ =	shalt  }
0x69: {  	_ =	shalt  }
0x6a: {  	_ =	shalt  }
0x6b: {  	_ =	shalt  }
0x6c: {  	_ =	shalt  }
0x6d: {  	_ =	shalt  }
0x6e: {  	_ =	shalt  }
0x6f: {  	_ =	shalt  }
0x70: {  	_ =	shalt  }
0x71: {  	_ =	shalt  }
0x72: {  	_ =	shalt  }
0x73: {  	_ =	shalt  }
0x74: {  	_ =	shalt  }
0x75: {  	_ =	shalt  }
0x76: {  	_ =	shalt  }
0x77: {  	_ =	shalt  }
0x78: {  	_ =	shalt  }
0x79: {  	_ =	shalt  }
0x7a: {  	_ =	shalt  }
0x7b: {  	_ =	shalt  }
0x7c: {  	_ =	shalt  }
0x7d: {  	_ =	shalt  }
0x7e: {  	_ =	shalt  }
0x7f: {  	_ =	shalt  }
0x80: {  	_ =	shalt  }
0x81: {  	_ =	shalt  }
0x82: {  	_ =	shalt  }
0x83: {  	_ =	shalt  }
0x84: {  	_ =	shalt  }
0x85: {  	_ =	shalt  }
0x86: {  	_ =	shalt  }
0x87: {  	_ =	shalt  }
.Lfunc_end0:
.L_simem_size_0:
called_computation.1_lowered:
.L_overlay_start_0:
0x88: {  	s2 =	sld [smem:$0x3FD9]  }
0x89: {  	s3 =	sld [smem:$0x3FFE];
	_ =	sdelay $0x1  }
0x8a: {  	s1 =	srdreg.scid  }
0x8b: {  	s0 =	sand.u32 $0x1, s1  }
0x8c: {  	s17 =	sshll.u32 s0, $0xA;
	s2 =	sadd.s32 s3, s2  }
0x8d: {  	s2 =	sadd.s32 s2, s17  }
0x8e: {  	[smem:$0x3FBE] =	sst s2  }
0x8f: {  	_ = 	snop  }
0x90: {  	s2 =	sld [smem:$0x3FD0];
	(tm) =	ssettm $0x1  }
0x91: {  	s18 =	sld [smem:$0x3FFB];
	_ =	sdelay $0x3  }
0x92: {  	_ =	strace s18  }
0x93: {  	s3 =	sld [smem:$0x3FFC];
	_ =	sdelay $0x3  }
0x94: {  	_ =	strace s3  }
0x95: {  	s3 =	sld [smem:$0x3FFD];
	_ =	sdelay $0x3  }
0x96: {  	_ =	strace s3  }
0x97: {  	_ =	strace $0x8FFFFFFF  }
0x98: {  	s19 =	sld [smem:$0x3FDB];
	_ =	sdelay $0x1  }
0x99: {  	s4 =	simm.s32 $_scs_section_size  }
0x9a: {  	s5 =	simm.s32 $_size__tile_overlayer_lowered;
	s6 =	simm.s32 $_tile_overlayer_lowered  }
0x9b: {  	s22 =	simm.s32 $0x1BFF;
	s21 =	sshll.u32 s6, $0x1;
	s3 =	sadd.s32 s4, s19  }
0x9c: {  	s7 =	simm.s32 $0x0;
	s20 =	sshll.u32 s5, $0x1;
	s5 =	sadd.s32 s21, s3  }
0x9d: {  	[timem:s7], [sflag:s22] =	dma.local [hbm:s5], s20  }
0x9e: {  	_ =	swait.ge [sflag:s22], s20  }
0x9f: {  	s4 =	ssub.s32 $0x0, s20;
	[sflag:s22] =	ssyncset.done $0x0  }
0xa0: {  	[sflag:s22] =	ssyncadd.s32 s4;
	_ =	sdelay $0x1  }
0xa1: {  	s23 =	simm.s32 $0x1B8B  }
0xa2: {  	_ =	swait.ge [sflag:s23], $0x1  }
0xa3: {  	[sflag:s23] =	ssyncset.done $0x0  }
0xa4: {  	s25 =	simm.s32 $0x1B8E;
	s24 =	sld [smem:$0x3FFE];
	[sflag:s23] =	ssyncadd.s32 $0xFFFFFFFF  }
0xa5: {  	s26 =	simm.s32 $execute0_lowered;
	[smem:$0x3FD2] =	sst s25  }
0xa6: {  	s5 =	sshll.u32 s26, $0x1;
	_ =	strace $0x80000049;
	[dreg:$0x1] =	wrdreg $0xFFFFFFFF  }
0xa7: {  	s28 =	simm.s32 $_size_execute0_lowered;
	s3 =	sadd.s32 s3, s5;
	[dreg:$0x0] =	wrdreg $0x0  }
0xa8: {  	s5 =	sshll.u32 s28, $0x1;
	[dreg:$0x2] =	wrdreg s3  }
0xa9: {  	[dreg:$0x3] =	wrdreg s5  }
0xaa: {  	[dreg:$0x4] =	wrdreg $0xC0  }
0xab: {  	_ =	task [dreg:s7], $0x5FFFF  }
0xac: {  	[dreg:$0x1] =	wrdreg $0xFFFFFFFF  }
0xad: {  	[dreg:$0x0] =	wrdreg $0x60  }
0xae: {  	[dreg:$0x2] =	wrdreg s24  }
0xaf: {  	[dreg:$0x3] =	wrdreg s2  }
0xb0: {  	[dreg:$0x4] =	wrdreg $0x0  }
0xb1: {  	[dreg:$0x5] =	wrdreg $0x27800  }
0xb2: {  	[dreg:$0x6] =	wrdreg $0x9  }
0xb3: {  	_ =	task.clear_ibuf [dreg:s7], $0x7FFFF;
	_ =	strace $0x90000049  }
0xb4: {  	s29 =	simm.s32 $0x9;
	_ =	strace $0x8000004B  }
0xb5: {  	_ =	swait.ge [sflag:s29], $0x1  }
0xb6: {  	[sflag:s29] =	ssyncadd.s32 $0xFFFFFFFF  }
0xb7: {  	_ =	strace $0x9000004B  }
0xb8: {  	_ =	sfence  }
0xb9: {  	s30 =	sld [smem:$0x0];
	_ =	sdelay $0x2  }
0xba: {  	s31 =	sshll.u32 s1, $0xD;
	s1 =	sshrl.u32 s1, $0x2  }
0xbb: {  	s3 =	sand.u32 $0x4000, s31;
	s1 =	sadd.s32 s1, s30  }
0xbc: {  	s0 =	sor.u32 s3, s0;
	s1 =	sshll.u32 s1, $0x11  }
0xbd: {  	s0 =	sor.u32 s1, s0  }
0xbe: {  	s0 =	sadd.s32 $0x8F2B, s0  }
0xbf: {  	[sflag:s0] =	ssyncadd.remote.s32 $0x1  }
0xc0: {  	_ =	sfence.sel $0xFFFF  }
0xc1: {  	[dreg:$0x0] =	wrdreg $0xFFFFFFFF;
	(pc) =	sbr.abs _section_cstart, $3  }
0xc2: {  	[dreg:$0x1] =	wrdreg $0xFFFFFFFF  }
0xc3: {  	_ =	task.clear_ibuf [dreg:s7], $0x2FFFF;
	_ =	strace $0x9FFFFFFF  }
0xc4: {  	(tm) =	ssettm $0x7FFFFFFF  }
0xc5: {  	_ =	shalt  }
tec
execute0_lowered:
.L_overlay_start_1:
0x0: {  	(tag) =	ssettag $0x1  }
0x1: {  	s5 =	rddreg [dreg:$0x0]  }
0x2: {  	s7 =	rddreg [dreg:$0x1]  }
0x3: {  	s2 =	rddreg [dreg:$0x2]  }
0x4: {  	s0 =	srdreg.scid;
	s3 =	rddreg [dreg:$0x3]  }
0x5: {  	s4 =	simm.s32 $0x0;
	s17 =	simm.s32 $0x80;
	s18 =	simm.s32 $0x9F00  }
0x6: {  	s19 =	simm.s32 $0xA700;
	s20 =	simm.s32 $0x1;
	s21 =	simm.s32 $0x2  }
0x7: {  	s22 =	simm.s32 $0x7680;
	s23 =	simm.s32 $0x9E00;
	s24 =	simm.s32 $0x9E80  }
0x8: {  	s25 =	simm.s32 $0x0;
	s6 =	sand.u32 $0x1, s0;
	s0 =	stileid.u32  }
0x9: {  	[smem:$0x7FF] =	sst s4;
	s1 =	sshll.u32 s6, $0x4;
	s9 =	smul.u32 $0x2780, s0  }
0xa: {  	s10 =	smul.u32 $0x27800, s6;
	s6 =	ssub.s32 $0x2, s6;
	s1 =	sor.u32 s0, s1  }
0xb: {  	s31 =	sshll.u32 s0, $0x6;
	s12 =	sshrl.u32 s6, $0x1;
	s8 =	smul.u32 $0x2800, s1  }
0xc: {  	s1 =	rddreg [dreg:$0x4];
	_ =	strace $0x8000004A;
	s29 =	sadd.s32 s9, s10  }
0xd: {  	s30 =	sshrl.u32 s9, $0x3;
	s12 =	ssub.s32 s6, s12;
	s15 =	sadd.s32 s9, s2  }
0xe: {  	s6 =	sor.u32 $0x1C03, s31;
	s16 =	sadd.s32 s9, s3;
	s8 =	sshrl.u32 s8, $0x3  }
0xf: {  	s13 =	sadd.s32 s30, s5;
	s11 =	sadd.s32 s8, s5;
	s8 =	sshrl.u32 s29, $0x3  }
0x10: {  	s14 =	sadd.s32 s8, s5;
	s5 =	sadd.s32 s7, s30;
	s7 =	sadd.s32 $0x1C00, s13  }
0x11: {  	s8 =	sadd.s32 $0x1F800, s11;
	s9 =	sadd.s32 $0x29800, s11;
	s11 =	smax.u32 s12, $0x1  }
0x12: {  	s12 =	sshrl.u32 s15, $0x3;
	s13 =	simm.s32 $0x3;
	s15 =	simm.s32 $0x4F00  }
0x13: {  	s10 =	sadd.s32 $0x6C00, s14;
	s14 =	sshrl.u32 s16, $0x3;
	s16 =	simm.s32 $0x7700  }
.LBB2_1:
0x14: {  	[spmem:s12], [sflag:s6] =	dma.local [hbm:s5], $0x4F0  }
0x15: {  	_ =	swait.ge [sflag:s13], $0x4F0  }
0x16: {  	[sflag:s13] =	ssyncset.done $0x0  }
0x17: {  	[sflag:s13] =	ssyncadd.s32 $0xFFFFFB10  }
0x18: {  	[spmem:s14], [sflag:s6] =	dma.local [hbm:s7], $0x4F0  }
0x19: {  	_ =	swait.ge [sflag:s13], $0x4F0  }
0x1a: {  	[sflag:s13] =	ssyncset.done $0x0  }
0x1b: {  	[sflag:s13] =	ssyncadd.s32 $0xFFFFFB10  }
0x1c: {  	[tilespmem:s15], [sflag:$0x3] =	stream.linear.gather [hbm4b:s8+s4], $0x2800, $0x38;
	[tilespmem:$0xAF00] =	vst v63  }
0x1d: {  	_ =	swait.ge [sflag:s13], $0x2800  }
0x1e: {  	[sflag:s13] =	ssyncset.done $0x0  }
0x1f: {  	[sflag:s13] =	ssyncadd.s32 $0xFFFFD800  }
0x20: {  	[tilespmem:s16], [sflag:$0x3] =	stream.linear.gather [hbm4b:s9+s4], $0x2800, $0x38;
	[tilespmem:$0xAF00] =	vst v63  }
0x21: {  	_ =	swait.ge [sflag:s13], $0x2800  }
0x22: {  	[sflag:s13] =	ssyncset.done $0x0  }
0x23: {  	[sflag:s13] =	ssyncadd.s32 $0xFFFFD800  }
0x24: {  	[bflag:$0x0] =	sbarrier.arrive $0xFFFF  }
0x25: {  	[tilespmem:s18], [sflag:$0x1] =	stream.indirect.gather [spmem:s2], $0x10, s15, s17, $0xb8;
	[tilespmem:$0xAF00] =	vst v63  }
0x26: {  	s26 =	simm.s32 $0x4F80  }
0x27: {  	[tilespmem:s19], [sflag:$0x2] =	stream.indirect.gather [spmem:s2], $0x10, s26, s17, $0xb8;
	[tilespmem:$0xAF00] =	vst v63  }
0x28: {  	_ =	swait.ge [sflag:s20], $0x800  }
0x29: {  	[sflag:s20] =	ssyncset.done $0x0  }
0x2a: {  	s29 =	simm.s32 $0x7700;
	[sflag:s20] =	ssyncadd.s32 $0xFFFFF800  }
0x2b: {  	[spmem:s3] =	stream.indirect.scatter.add.f32 [tilespmem:s18], [sflag:$0x3], $0x10, s29, s17, $0xb8;
	[tilespmem:$0xAF00] =	vst v63  }
0x2c: {  	_ =	swait.ge [sflag:s13], $0x800  }
0x2d: {  	[sflag:s13] =	ssyncset.done $0x0  }
0x2e: {  	s30 =	simm.s32 $0x5000;
	[sflag:s13] =	ssyncadd.s32 $0xFFFFF800  }
0x2f: {  	[tilespmem:s18], [sflag:$0x1] =	stream.indirect.gather [spmem:s2], $0x10, s30, s17, $0xb8;
	[tilespmem:$0xAF00] =	vst v63  }
0x30: {  	_ =	swait.ge [sflag:s21], $0x800  }
0x31: {  	[sflag:s21] =	ssyncset.done $0x0  }
0x32: {  	s31 =	simm.s32 $0x7780;
	[sflag:s21] =	ssyncadd.s32 $0xFFFFF800  }
0x33: {  	[spmem:s3] =	stream.indirect.scatter.add.f32 [tilespmem:s19], [sflag:$0x3], $0x10, s31, s17, $0xb8;
	[tilespmem:$0xAF00] =	vst v63  }
0x34: {  	_ =	swait.ge [sflag:s13], $0x800  }
0x35: {  	s28 =	simm.s32 $0x800;
	s26 =	simm.s32 $0x100;
	[sflag:s13] =	ssyncset.done $0x0  }
.LBB2_2:
0x36: {  	s29 =	sadd.s32 $0x4F80, s26  }
0x37: {  	[sflag:s13] =	ssyncadd.s32 $0xFFFFF800;
	s30 =	smov.u32 s28;
	s31 =	sadd.s32 $0x400, s28  }
0x38: {  	[tilespmem:s19], [sflag:$0x2] =	stream.indirect.gather [spmem:s2], $0x10, s29, s17, $0xb8;
	[tilespmem:$0xAF00] =	vst v63  }
0x39: {  	p0 =	sne.s32 s28, $0x9800;
	_ =	swait.ge [sflag:s20], $0x800  }
0x3a: {  	[sflag:s20] =	ssyncset.done $0x0  }
0x3b: {  	s28 =	sadd.s32 $0x7700, s26;
	[sflag:s20] =	ssyncadd.s32 $0xFFFFF800  }
0x3c: {  	[spmem:s3] =	stream.indirect.scatter.add.f32 [tilespmem:s18], [sflag:$0x3], $0x10, s28, s17, $0xb8;
	[tilespmem:$0xAF00] =	vst v63  }
0x3d: {  	_ =	swait.ge [sflag:s13], $0x800  }
0x3e: {  	[sflag:s13] =	ssyncset.done $0x0  }
0x3f: {  	s28 =	sadd.s32 $0x5000, s26;
	[sflag:s13] =	ssyncadd.s32 $0xFFFFF800  }
0x40: {  	[tilespmem:s18], [sflag:$0x1] =	stream.indirect.gather [spmem:s2], $0x10, s28, s17, $0xb8;
	[tilespmem:$0xAF00] =	vst v63  }
0x41: {  	_ =	swait.ge [sflag:s21], $0x800  }
.Ltmp0:
0x42: {  	[sflag:s21] =	ssyncset.done $0x0;
	(pc) =	sbr.rel @p0 .LBB2_2-.Ltmp0, $4  }
0x43: {  	s26 =	sadd.s32 $0x7780, s26;
	[sflag:s21] =	ssyncadd.s32 $0xFFFFF800  }
0x44: {  	[spmem:s3] =	stream.indirect.scatter.add.f32 [tilespmem:s19], [sflag:$0x3], $0x10, s26, s17, $0xb8;
	[tilespmem:$0xAF00] =	vst v63  }
0x45: {  	_ =	swait.ge [sflag:s13], $0x800  }
0x46: {  	s28 =	smov.u32 s31;
	s26 =	sshra.s32 s30, $0x2;
	[sflag:s13] =	ssyncset.done $0x0  }
0x47: {  	s28 =	sadd.s32 $0x4F80, s26;
	[sflag:s13] =	ssyncadd.s32 $0xFFFFF800  }
0x48: {  	[tilespmem:s19], [sflag:$0x2] =	stream.indirect.gather [spmem:s2], $0x10, s28, s17, $0xb8;
	[tilespmem:$0xAF00] =	vst v63  }
0x49: {  	_ =	swait.ge [sflag:s20], $0x800  }
0x4a: {  	[sflag:s20] =	ssyncset.done $0x0  }
0x4b: {  	s29 =	sadd.s32 $0x7700, s26;
	[sflag:s20] =	ssyncadd.s32 $0xFFFFF800  }
0x4c: {  	[spmem:s3] =	stream.indirect.scatter.add.f32 [tilespmem:s18], [sflag:$0x3], $0x10, s29, s17, $0xb8;
	[tilespmem:$0xAF00] =	vst v63  }
0x4d: {  	_ =	swait.ge [sflag:s13], $0x800  }
0x4e: {  	[sflag:s13] =	ssyncset.done $0x0  }
0x4f: {  	s30 =	sadd.s32 $0x5000, s26;
	[sflag:s13] =	ssyncadd.s32 $0xFFFFF800  }
0x50: {  	[tilespmem:s18], [sflag:$0x1] =	stream.indirect.gather [spmem:s2], $0x10, s30, s17, $0xb8;
	[tilespmem:$0xAF00] =	vst v63  }
0x51: {  	_ =	swait.ge [sflag:s21], $0x800  }
0x52: {  	[sflag:s21] =	ssyncset.done $0x0  }
0x53: {  	s31 =	sadd.s32 $0x7780, s26;
	[sflag:s21] =	ssyncadd.s32 $0xFFFFF800  }
0x54: {  	[spmem:s3] =	stream.indirect.scatter.add.f32 [tilespmem:s19], [sflag:$0x3], $0x10, s31, s17, $0xb8;
	[tilespmem:$0xAF00] =	vst v63  }
0x55: {  	_ =	swait.ge [sflag:s13], $0x800  }
0x56: {  	[sflag:s13] =	ssyncset.done $0x0  }
0x57: {  	[sflag:s13] =	ssyncadd.s32 $0xFFFFF800  }
0x58: {  	[tilespmem:s19], [sflag:$0x2] =	stream.indirect.gather [spmem:s2], $0x10, s22, s17, $0xb8;
	[tilespmem:$0xAF00] =	vst v63  }
0x59: {  	_ =	swait.ge [sflag:s20], $0x800  }
0x5a: {  	[sflag:s20] =	ssyncset.done $0x0  }
0x5b: {  	[sflag:s20] =	ssyncadd.s32 $0xFFFFF800  }
0x5c: {  	[spmem:s3] =	stream.indirect.scatter.add.f32 [tilespmem:s18], [sflag:$0x3], $0x10, s23, s17, $0xb8;
	[tilespmem:$0xAF00] =	vst v63  }
0x5d: {  	_ =	swait.ge [sflag:s13], $0x800  }
0x5e: {  	[sflag:s13] =	ssyncset.done $0x0  }
0x5f: {  	[sflag:s13] =	ssyncadd.s32 $0xFFFFF800  }
0x60: {  	_ =	swait.ge [sflag:s21], $0x800  }
0x61: {  	[sflag:s21] =	ssyncset.done $0x0  }
0x62: {  	[sflag:s21] =	ssyncadd.s32 $0xFFFFF800  }
0x63: {  	[spmem:s3] =	stream.indirect.scatter.add.f32 [tilespmem:s19], [sflag:$0x3], $0x10, s24, s17, $0xb8;
	[tilespmem:$0xAF00] =	vst v63  }
0x64: {  	_ =	swait.ge [sflag:s13], $0x800  }
0x65: {  	s25 =	sadd.s32 $0x1, s25;
	[sflag:s13] =	ssyncset.done $0x0  }
0x66: {  	p0 =	sne.s32 s25, s11;
	[sflag:s13] =	ssyncadd.s32 $0xFFFFF800  }
.Ltmp1:
0x67: {  	[bflag:$0x0] =	sbarrier.arrive $0xFFFF;
	(pc) =	sbr.rel @p0 .LBB2_1-.Ltmp1, $4  }
0x68: {  	[hbm:s10], [sflag:s6] =	dma.local [spmem:s14], $0x4F0  }
0x69: {  	_ =	swait.ge [sflag:s13], $0x4F0  }
0x6a: {  	[sflag:s13] =	ssyncset.done $0x0  }
0x6b: {  	[sflag:s13] =	ssyncadd.s32 $0xFFFFFB10  }
0x6c: {  	_ =	sfence.sel $0x180000  }
0x6d: {  	[bflag:$0x0] =	sbarrier.arrive $0xFFFF  }
0x6e: {  	p0 =	sne.s32 s0, $0x0;
	_ =	strace $0x9000004A  }
0x6f: {  	s0 =	sadd.s32 @!p0 $0x100000, s1;
	[bflag:$0x2] =	sbarrier.arrive $0xFFFF  }
0x70: {  	[sflag:s0] =	ssyncadd.tile.s32 @!p0 $0x1;
	_ =	shalt  }
.Lfunc_end2:
_tile_overlayer_lowered:
.L_overlay_start_2:
0x71: {  	(tag) =	ssettag $0x2  }
0x72: {  	s0 =	rddreg [dreg:$0x0];
	s2 =	stileid.u32  }
0x73: {  	s1 =	rddreg [dreg:$0x1];
	p0 =	sne.s32 s2, $0x0  }
0x74: {  	s3 =	rddreg [dreg:$0x2];
	[bflag:$0x3] =	sbarrier.arrive $0xFFFF;
	s2 =	simm.s32 @!p0 $0x1C03  }
0x75: {  	[timem:s3], [sflag:s2] =	dma.local @!p0 [hbm:s0], s1  }
0x76: {  	s0 =	simm.s32 @!p0 $0x3  }
0x77: {  	_ =	swait.ge @!p0 [sflag:s0], s1  }
0x78: {  	s1 =	ssub.s32 @!p0 $0x0, s1;
	[sflag:s0] =	ssyncset.done @!p0 $0x0  }
0x79: {  	[sflag:s0] =	ssyncadd.s32 @!p0 s1  }
0x7a: {  	[bflag:$0x3] =	sbarrier.arrive $0xFFFF  }
0x7b: {  	_ =	shalt  }

// kernel: kernel.7.cloned.1.call-start
scs
__scs_entry_jumppad:
0x0: {  	(pc) =	sbr.rel $0x88, $3  }
0x1: {  	(tag) =	ssettag $0x0;
	lr =	simm.s32 $0x1  }
0x2: {  	[smem:$0x3F97] =	sst lr;
	_ =	strace $0xD0000000  }
0x3: {  	_ = 	snop  }
0x4: {  	_ = 	snop  }
0x5: {  	_ = 	snop  }
0x6: {  	_ = 	snop  }
0x7: {  	_ = 	snop  }
__scs_overlays_trampoline_lowered:
0x8: {  	[smem:$0x3FA6] =	sst s0  }
0x9: {  	[smem:$0x3FA7] =	sst s1  }
0xa: {  	[smem:$0x3FA8] =	sst s2  }
0xb: {  	[smem:$0x3FA9] =	sst s3  }
0xc: {  	[smem:$0x3FAA] =	sst s4  }
0xd: {  	[smem:$0x3FAB] =	sst s5  }
0xe: {  	[smem:$0x3FAC] =	sst s6  }
0xf: {  	[smem:$0x3FAD] =	sst s7  }
0x10: {  	[smem:$0x3FAE] =	sst s8  }
0x11: {  	[smem:$0x3FAF] =	sst s9;
	s0 =	simm.s32 @!p0 $0x0  }
0x12: {  	s1 =	sld [smem:$0x3F95];
	s0 =	simm.s32 @p0 $0x1  }
0x13: {  	[smem:$0x3FB0] =	sst s0;
	s0 =	simm.s32 @!p1 $0x0  }
0x14: {  	s2 =	sld [smem:$0x3F94];
	s0 =	simm.s32 @p1 $0x1  }
0x15: {  	[smem:$0x3FB1] =	sst s0;
	s0 =	simm.s32 @!p2 $0x0  }
0x16: {  	s3 =	sld [smem:$0x3FDB];
	s0 =	simm.s32 @p2 $0x1  }
0x17: {  	s4 =	simm.s32 $0x1BF5;
	[smem:$0x3FB3] =	sst s0  }
0x18: {  	s0 =	sld [smem:$0x3F96];
	_ =	swait.ge [sflag:s4], $0x0  }
0x19: {  	s7 =	sld [smem:$0x3F97]  }
0x1a: {  	s8 =	sadd.s32 $0xFFFFE003, lr  }
0x1b: {  	s9 =	sadd.s32 $0xFFFFFEF7, lr;
	s5 =	simm.s32 $0xFFFFFFFF;
	p2 =	slt.u32 s8, $0xFFFFF086  }
0x1c: {  	p1 =	slt.u32 s9, $0xF7A;
	s5 =	simm.s32 @!p2 $0x0  }
0x1d: {  	s5 =	simm.s32 @p1 $0x1;
	p0 =	seq.s32 s7, s2  }
0x1e: {  	s7 =	smul.u32 @!p0 $0xF7A, s2;
	p2 =	seq.s32 @!p0 s5, $0x0  }
0x1f: {  	s9 =	smul.u32 $0xF7A, s1;
	s8 =	simm.s32 @!p0 $0x1BF5;
	p2 =	por !p2, p0  }
0x20: {  	[sflag:s8] =	ssyncset.s32 @!p0 $0xFFFFF086;
	s6 =	sadd.s32 @!p0 s3, s7;
	s7 =	simm.s32 @!p0 $0x108  }
0x21: {  	s3 =	sadd.s32 s3, s9;
	s6 =	sadd.s32 @!p0 $0x88, s6;
	s7 =	simm.s32 @p2 $0x1082  }
0x22: {  	[simem:s7], [sflag:s8] =	dma.local @!p0 [hbm:s6], $0xF7A  }
0x23: {  	s9 =	sor.u32 $0xD0000000, s2;
	s6 =	simm.s32 $0x108;
	_ =	swait.ge @!p0 [sflag:s8], $0x0  }
0x24: {  	s3 =	sadd.s32 $0x88, s3;
	s6 =	simm.s32 @!p1 $0x1082;
	[sflag:s4] =	ssyncset.s32 $0xFFFFF086  }
0x25: {  	[simem:s6], [sflag:s4] =	dma.local [hbm:s3], $0xF7A  }
0x26: {  	[smem:$0x3F97] =	sst s1;
	(tag) =	ssettag s2;
	_ =	strace s9  }
0x27: {  	s1 =	sld [smem:$0x3FA7]  }
0x28: {  	s2 =	sld [smem:$0x3FA8]  }
0x29: {  	s4 =	sld [smem:$0x3FAA]  }
0x2a: {  	p0 =	seq.s32 s5, $0x0;
	s5 =	sld [smem:$0x3FAB]  }
0x2b: {  	s6 =	sld [smem:$0x3FAC]  }
0x2c: {  	s7 =	sld [smem:$0x3FAD]  }
0x2d: {  	s3 =	simm.s32 $0x108;
	s8 =	sld [smem:$0x3FAE]  }
0x2e: {  	s3 =	simm.s32 @!p0 $0x1082;
	s9 =	sld [smem:$0x3FAF]  }
0x2f: {  	lr =	sadd.s32 s0, s3;
	s0 =	sld [smem:$0x3FA6]  }
0x30: {  	s3 =	sld [smem:$0x3FA9]  }
0x31: {  	[smem:$0x3FB2] =	sst s10  }
0x32: {  	s10 =	sld [smem:$0x3FB0];
	_ =	sdelay $0x3  }
0x33: {  	p0 =	seq.s32 s10, $0x1;
	s10 =	sld [smem:$0x3FB2];
	_ =	sdelay $0x3  }
0x34: {  	[smem:$0x3FB2] =	sst s10  }
0x35: {  	s10 =	sld [smem:$0x3FB1];
	_ =	sdelay $0x3  }
0x36: {  	p1 =	seq.s32 s10, $0x1;
	s10 =	sld [smem:$0x3FB2];
	_ =	sdelay $0x3  }
0x37: {  	[smem:$0x3FB2] =	sst s10  }
0x38: {  	s10 =	sld [smem:$0x3FB3]  }
0x39: {  	_ = 	snop;
	(pc) =	sbr.ind lr, $3  }
0x3a: {  	_ = 	snop  }
0x3b: {  	_ = 	snop  }
0x3c: {  	p2 =	seq.s32 s10, $0x1;
	s10 =	sld [smem:$0x3FB2]  }
0x3d: {  	_ =	shalt  }
0x3e: {  	_ =	shalt  }
0x3f: {  	_ =	shalt  }
0x40: {  	_ =	shalt  }
0x41: {  	_ =	shalt  }
0x42: {  	_ =	shalt  }
0x43: {  	_ =	shalt  }
0x44: {  	_ =	shalt  }
0x45: {  	_ =	shalt  }
0x46: {  	_ =	shalt  }
0x47: {  	_ =	shalt  }
0x48: {  	_ =	shalt  }
0x49: {  	_ =	shalt  }
0x4a: {  	_ =	shalt  }
0x4b: {  	_ =	shalt  }
0x4c: {  	_ =	shalt  }
0x4d: {  	_ =	shalt  }
0x4e: {  	_ =	shalt  }
0x4f: {  	_ =	shalt  }
0x50: {  	_ =	shalt  }
0x51: {  	_ =	shalt  }
0x52: {  	_ =	shalt  }
0x53: {  	_ =	shalt  }
0x54: {  	_ =	shalt  }
0x55: {  	_ =	shalt  }
0x56: {  	_ =	shalt  }
0x57: {  	_ =	shalt  }
0x58: {  	_ =	shalt  }
0x59: {  	_ =	shalt  }
0x5a: {  	_ =	shalt  }
0x5b: {  	_ =	shalt  }
0x5c: {  	_ =	shalt  }
0x5d: {  	_ =	shalt  }
0x5e: {  	_ =	shalt  }
0x5f: {  	_ =	shalt  }
0x60: {  	_ =	shalt  }
0x61: {  	_ =	shalt  }
0x62: {  	_ =	shalt  }
0x63: {  	_ =	shalt  }
0x64: {  	_ =	shalt  }
0x65: {  	_ =	shalt  }
0x66: {  	_ =	shalt  }
0x67: {  	_ =	shalt  }
0x68: {  	_ =	shalt  }
0x69: {  	_ =	shalt  }
0x6a: {  	_ =	shalt  }
0x6b: {  	_ =	shalt  }
0x6c: {  	_ =	shalt  }
0x6d: {  	_ =	shalt  }
0x6e: {  	_ =	shalt  }
0x6f: {  	_ =	shalt  }
0x70: {  	_ =	shalt  }
0x71: {  	_ =	shalt  }
0x72: {  	_ =	shalt  }
0x73: {  	_ =	shalt  }
0x74: {  	_ =	shalt  }
0x75: {  	_ =	shalt  }
0x76: {  	_ =	shalt  }
0x77: {  	_ =	shalt  }
0x78: {  	_ =	shalt  }
0x79: {  	_ =	shalt  }
0x7a: {  	_ =	shalt  }
0x7b: {  	_ =	shalt  }
0x7c: {  	_ =	shalt  }
0x7d: {  	_ =	shalt  }
0x7e: {  	_ =	shalt  }
0x7f: {  	_ =	shalt  }
0x80: {  	_ =	shalt  }
0x81: {  	_ =	shalt  }
0x82: {  	_ =	shalt  }
0x83: {  	_ =	shalt  }
0x84: {  	_ =	shalt  }
0x85: {  	_ =	shalt  }
0x86: {  	_ =	shalt  }
0x87: {  	_ =	shalt  }
.Lfunc_end0:
.L_simem_size_0:
called_computation_lowered:
.L_overlay_start_0:
0x88: {  	s2 =	sld [smem:$0x3FD9]  }
0x89: {  	s3 =	sld [smem:$0x3FFE];
	_ =	sdelay $0x1  }
0x8a: {  	s1 =	srdreg.scid  }
0x8b: {  	s0 =	sand.u32 $0x1, s1  }
0x8c: {  	s16 =	sshll.u32 s0, $0xA;
	s2 =	sadd.s32 s3, s2  }
0x8d: {  	s2 =	sadd.s32 s2, s16  }
0x8e: {  	[smem:$0x3FBE] =	sst s2  }
0x8f: {  	_ = 	snop  }
0x90: {  	(tm) =	ssettm $0x1  }
0x91: {  	s17 =	sld [smem:$0x3FFB];
	_ =	sdelay $0x3  }
0x92: {  	_ =	strace s17  }
0x93: {  	s2 =	sld [smem:$0x3FFC];
	_ =	sdelay $0x3  }
0x94: {  	_ =	strace s2  }
0x95: {  	s2 =	sld [smem:$0x3FFD];
	_ =	sdelay $0x3  }
0x96: {  	_ =	strace s2  }
0x97: {  	_ =	strace $0x8FFFFFFF  }
0x98: {  	s18 =	sld [smem:$0x3FDB];
	_ =	sdelay $0x1  }
0x99: {  	s19 =	simm.s32 $_scs_section_size  }
0x9a: {  	s4 =	simm.s32 $_size__tile_overlayer_lowered;
	s5 =	simm.s32 $_tile_overlayer_lowered  }
0x9b: {  	s22 =	simm.s32 $0x1BFF;
	s21 =	sshll.u32 s5, $0x1;
	s2 =	sadd.s32 s19, s18  }
0x9c: {  	s6 =	simm.s32 $0x0;
	s20 =	sshll.u32 s4, $0x1;
	s4 =	sadd.s32 s21, s2  }
0x9d: {  	[timem:s6], [sflag:s22] =	dma.local [hbm:s4], s20  }
0x9e: {  	_ =	swait.ge [sflag:s22], s20  }
0x9f: {  	s3 =	ssub.s32 $0x0, s20;
	[sflag:s22] =	ssyncset.done $0x0  }
0xa0: {  	[sflag:s22] =	ssyncadd.s32 s3;
	_ =	sdelay $0x1  }
0xa1: {  	s23 =	simm.s32 $0x1B8B  }
0xa2: {  	_ =	swait.ge [sflag:s23], $0x1  }
0xa3: {  	[sflag:s23] =	ssyncset.done $0x0  }
0xa4: {  	s25 =	simm.s32 $0x1B8E;
	s24 =	sld [smem:$0x3FFE];
	[sflag:s23] =	ssyncadd.s32 $0xFFFFFFFF  }
0xa5: {  	s26 =	simm.s32 $execute0_lowered;
	[smem:$0x3FD2] =	sst s25  }
0xa6: {  	s4 =	sshll.u32 s26, $0x1;
	_ =	strace $0x80000046;
	[dreg:$0x1] =	wrdreg $0xFFFFFFFF  }
0xa7: {  	s28 =	simm.s32 $_size_execute0_lowered;
	s2 =	sadd.s32 s2, s4;
	[dreg:$0x0] =	wrdreg $0x0  }
0xa8: {  	s4 =	sshll.u32 s28, $0x1;
	[dreg:$0x2] =	wrdreg s2  }
0xa9: {  	[dreg:$0x3] =	wrdreg s4  }
0xaa: {  	[dreg:$0x4] =	wrdreg $0xC0  }
0xab: {  	_ =	task [dreg:s6], $0x5FFFF  }
0xac: {  	[dreg:$0x1] =	wrdreg $0xFFFFFFFF  }
0xad: {  	[dreg:$0x0] =	wrdreg $0x60  }
0xae: {  	[dreg:$0x2] =	wrdreg s24  }
0xaf: {  	[dreg:$0x3] =	wrdreg $0x0  }
0xb0: {  	[dreg:$0x4] =	wrdreg $0x76800  }
0xb1: {  	[dreg:$0x5] =	wrdreg $0x9  }
0xb2: {  	_ =	task.clear_ibuf [dreg:s6], $0x6FFFF;
	_ =	strace $0x90000046  }
0xb3: {  	s29 =	simm.s32 $0x9;
	_ =	strace $0x80000048  }
0xb4: {  	_ =	swait.ge [sflag:s29], $0x1  }
0xb5: {  	[sflag:s29] =	ssyncadd.s32 $0xFFFFFFFF  }
0xb6: {  	_ =	strace $0x90000048  }
0xb7: {  	_ =	sfence  }
0xb8: {  	s30 =	sld [smem:$0x0];
	_ =	sdelay $0x2  }
0xb9: {  	s31 =	sshll.u32 s1, $0xD;
	s1 =	sshrl.u32 s1, $0x2  }
0xba: {  	s3 =	sand.u32 $0x4000, s31;
	s1 =	sadd.s32 s1, s30  }
0xbb: {  	s0 =	sor.u32 s3, s0;
	s1 =	sshll.u32 s1, $0x11  }
0xbc: {  	s0 =	sor.u32 s1, s0  }
0xbd: {  	s0 =	sadd.s32 $0x8F2B, s0  }
0xbe: {  	[sflag:s0] =	ssyncadd.remote.s32 $0x1  }
0xbf: {  	_ =	sfence.sel $0xFFFF  }
0xc0: {  	[dreg:$0x0] =	wrdreg $0xFFFFFFFF;
	(pc) =	sbr.abs _section_cstart, $3  }
0xc1: {  	[dreg:$0x1] =	wrdreg $0xFFFFFFFF  }
0xc2: {  	_ =	task.clear_ibuf [dreg:s6], $0x2FFFF;
	_ =	strace $0x9FFFFFFF  }
0xc3: {  	(tm) =	ssettm $0x7FFFFFFF  }
tec
execute0_lowered:
.L_overlay_start_1:
0x0: {  	(tag) =	ssettag $0x1  }
0x1: {  	s0 =	rddreg [dreg:$0x0]  }
0x2: {  	s2 =	rddreg [dreg:$0x1]  }
0x3: {  	s3 =	rddreg [dreg:$0x2]  }
0x4: {  	s11 =	stileid.u32;
	s5 =	srdreg.scid  }
0x5: {  	s4 =	simm.s32 $0x0;
	s18 =	simm.s32 $0xED80;
	s20 =	simm.s32 $0xEE00  }
0x6: {  	s21 =	simm.s32 $0xF780;
	s22 =	simm.s32 $0xEE80;
	[smem:$0x7FF] =	sst s4  }
0x7: {  	s24 =	simm.s32 $0xF800;
	_ =	strace $0x80000047;
	[dreg:$0x5] =	wrdreg s18  }
0x8: {  	s25 =	simm.s32 $0xEF00;
	s12 =	simm.s32 $0xF000;
	[dreg:$0x6] =	wrdreg s20  }
0x9: {  	s14 =	simm.s32 $0xF980;
	s15 =	simm.s32 $0xF080;
	[dreg:$0x7] =	wrdreg s21  }
0xa: {  	s28 =	simm.s32 $0xF500;
	s29 =	simm.s32 $0xFE80;
	[dreg:$0x8] =	wrdreg s22  }
0xb: {  	s30 =	simm.s32 $0xF580;
	s1 =	smul.u32 $0xA00, s11;
	[dreg:$0x9] =	wrdreg s24  }
0xc: {  	s31 =	simm.s32 $0xFF00;
	s6 =	smul.u32 $0xED00, s11;
	[dreg:$0xa] =	wrdreg s25  }
0xd: {  	s5 =	sand.u32 $0x1, s5;
	s13 =	sshll.u32 s11, $0x6;
	[dreg:$0xe] =	wrdreg s12  }
0xe: {  	s11 =	simm.s32 $0x3;
	s7 =	smul.u32 $0xED000, s5;
	[dreg:$0xf] =	wrdreg s14  }
0xf: {  	s9 =	ssub.s32 $0x2, s5;
	p0 =	seq.s32 s5, $0x1;
	[dreg:$0x10] =	wrdreg s15  }
0x10: {  	s18 =	simm.s32 $0xF100;
	s20 =	simm.s32 $0xF180;
	s14 =	simm.s32 $0xF700  }
0x11: {  	s21 =	simm.s32 $0xFB00;
	s15 =	simm.s32 $0x80;
	[dreg:$0x12] =	wrdreg s18  }
0x12: {  	s22 =	simm.s32 $0xF200;
	s24 =	simm.s32 $0xF280;
	[dreg:$0x14] =	wrdreg s20  }
0x13: {  	s25 =	simm.s32 $0xFC00;
	s1 =	sadd.s32 s1, s0;
	[dreg:$0x15] =	wrdreg s21  }
0x14: {  	s8 =	sshrl.u32 s6, $0x4;
	s10 =	sshrl.u32 s9, $0x1;
	[dreg:$0x16] =	wrdreg s22  }
0x15: {  	s19 =	sshrl.u32 s6, $0x1;
	s18 =	simm.s32 $0x1;
	[dreg:$0x18] =	wrdreg s24  }
0x16: {  	[dreg:$0x19] =	wrdreg s25;
	s20 =	simm.s32 $0xFC80;
	s21 =	simm.s32 $0xF380  }
0x17: {  	s22 =	simm.s32 $0xFD00;
	s24 =	simm.s32 $0xFD80;
	s25 =	simm.s32 $0xF480  }
0x18: {  	s7 =	sadd.s32 s6, s7;
	s8 =	sadd.s32 s8, s0;
	s17 =	ssub.s32 s9, s10  }
0x19: {  	s1 =	sadd.s32 $0x1F800, s1;
	s6 =	sadd.s32 s19, s2;
	s5 =	sadd.s32 s19, s3  }
0x1a: {  	s9 =	simm.s32 $0xEF80;
	s10 =	simm.s32 $0xF900;
	[dreg:$0x4] =	wrdreg s1  }
0x1b: {  	s19 =	simm.s32 $0xFA80;
	s7 =	sshrl.u32 s7, $0x4;
	[dreg:$0xc] =	wrdreg s9  }
0x1c: {  	s23 =	sadd.s32 $0x33800, s8;
	s26 =	smax.u32 s17, $0x1;
	[dreg:$0xd] =	wrdreg s10  }
0x1d: {  	s1 =	simm.s32 $0x1C00;
	s9 =	sor.u32 $0x1C03, s13;
	[dreg:$0x13] =	wrdreg s19  }
0x1e: {  	s16 =	sshrl.u32 s6, $0x3;
	s17 =	simm.s32 $0xFA00;
	[dreg:$0x1b] =	wrdreg s23  }
0x1f: {  	s12 =	sshrl.u32 s5, $0x3;
	s13 =	simm.s32 $0xED00;
	[dreg:$0x1d] =	wrdreg s26  }
0x20: {  	s19 =	simm.s32 $0x2;
	s5 =	simm.s32 $0xF680;
	[smem:$0x7FC] =	sst s16  }
0x21: {  	s6 =	simm.s32 $0x10000;
	s10 =	simm.s32 $0x0;
	[dreg:$0x11] =	wrdreg s17  }
0x22: {  	s0 =	sadd.s32 s7, s0;
	s7 =	simm.s32 $0xF880;
	[dreg:$0x1f] =	wrdreg s9  }
0x23: {  	s1 =	simm.s32 @!p0 $0x10A00;
	s16 =	simm.s32 $0x10100;
	[smem:$0x7FD] =	sst s12  }
0x24: {  	s23 =	simm.s32 $0xFB80;
	s17 =	simm.s32 $0x11900;
	[dreg:$0xb] =	wrdreg s7  }
0x25: {  	s26 =	simm.s32 $0xF300;
	s0 =	sadd.s32 $0x42600, s0;
	[dreg:$0x17] =	wrdreg s23  }
0x26: {  	s1 =	sadd.s32 s1, s8;
	[dreg:$0x1a] =	wrdreg s26;
	s23 =	simm.s32 $0xF400  }
0x27: {  	s26 =	simm.s32 $0xFE00;
	s7 =	simm.s32 $0x10080;
	[dreg:$0x1c] =	wrdreg s0  }
0x28: {  	[dreg:$0x1e] =	wrdreg s1;
	s0 =	simm.s32 $0xF600;
	s1 =	simm.s32 $0xFF80  }
.LBB2_1:
0x29: {  	[smem:$0x7FB] =	sst s10  }
0x2a: {  	s10 =	sld [smem:$0x7FC];
	_ =	sdelay $0x1  }
0x2b: {  	s8 =	rddreg [dreg:$0x1e]  }
0x2c: {  	[spmem:s10], [sflag:s9] =	dma.local [hbm:s8], $0xED0  }
0x2d: {  	_ =	swait.ge [sflag:s11], $0xED0  }
0x2e: {  	[sflag:s11] =	ssyncset.done $0x0  }
0x2f: {  	s10 =	rddreg [dreg:$0x1b];
	[sflag:s11] =	ssyncadd.s32 $0xFFFFF130  }
0x30: {  	[spmem:s12], [sflag:s9] =	dma.local [hbm:s10], $0xED0  }
0x31: {  	_ =	swait.ge [sflag:s11], $0xED0  }
0x32: {  	[sflag:s11] =	ssyncset.done $0x0  }
0x33: {  	[sflag:s11] =	ssyncadd.s32 $0xFFFFF130  }
0x34: {  	[bflag:$0x0] =	sbarrier.arrive $0xFFFF  }
0x35: {  	s10 =	rddreg [dreg:$0x4]  }
0x36: {  	s9 =	sadd.s32 $0x0, s10  }
0x37: {  	[tilespmem:s13], [sflag:$0x3] =	stream.linear.gather [hbm4b:s9+s4], $0xA00, $0x38;
	[tilespmem:$0x13100] =	vst v63  }
0x38: {  	_ =	swait.ge [sflag:s11], $0xA00  }
0x39: {  	[sflag:s11] =	ssyncset.done $0x0  }
0x3a: {  	s9 =	sadd.s32 $0xA000, s9;
	[sflag:s11] =	ssyncadd.s32 $0xFFFFF600  }
0x3b: {  	[tilespmem:s14], [sflag:$0x3] =	stream.linear.gather [hbm4b:s9+s4], $0xA00, $0x38;
	[tilespmem:$0x13100] =	vst v63  }
0x3c: {  	_ =	swait.ge [sflag:s11], $0xA00  }
0x3d: {  	[sflag:s11] =	ssyncset.done $0x0  }
0x3e: {  	[sflag:s11] =	ssyncadd.s32 $0xFFFFF600  }
0x3f: {  	[tilespmem:s16], [sflag:$0x1] =	stream.indirect.gather [spmem:s2], $0x30, s13, s15, $0xb8;
	[tilespmem:$0x13100] =	vst v63  }
0x40: {  	s12 =	rddreg [dreg:$0x5]  }
0x41: {  	[tilespmem:s17], [sflag:$0x2] =	stream.indirect.gather [spmem:s2], $0x30, s12, s15, $0xb8;
	[tilespmem:$0x13100] =	vst v63  }
0x42: {  	_ =	swait.ge [sflag:s18], $0x1800  }
0x43: {  	[sflag:s18] =	ssyncset.done $0x0  }
0x44: {  	[sflag:s18] =	ssyncadd.s32 $0xFFFFE800  }
0x45: {  	[spmem:s3] =	stream.indirect.scatter.add.bf16 [tilespmem:s16], [sflag:$0x3], $0x30, s14, s15, $0xb8;
	[tilespmem:$0x13100] =	vst v63  }
0x46: {  	_ =	swait.ge [sflag:s11], $0x1800  }
0x47: {  	[sflag:s11] =	ssyncset.done $0x0  }
0x48: {  	s8 =	rddreg [dreg:$0x6];
	[sflag:s11] =	ssyncadd.s32 $0xFFFFE800  }
0x49: {  	[tilespmem:s16], [sflag:$0x1] =	stream.indirect.gather [spmem:s2], $0x30, s8, s15, $0xb8;
	[tilespmem:$0x13100] =	vst v63  }
0x4a: {  	_ =	swait.ge [sflag:s19], $0x1800  }
0x4b: {  	[sflag:s19] =	ssyncset.done $0x0  }
0x4c: {  	s10 =	rddreg [dreg:$0x7];
	[sflag:s19] =	ssyncadd.s32 $0xFFFFE800  }
0x4d: {  	[spmem:s3] =	stream.indirect.scatter.add.bf16 [tilespmem:s17], [sflag:$0x3], $0x30, s10, s15, $0xb8;
	[tilespmem:$0x13100] =	vst v63  }
0x4e: {  	_ =	swait.ge [sflag:s11], $0x1800  }
0x4f: {  	[sflag:s11] =	ssyncset.done $0x0  }
0x50: {  	s12 =	rddreg [dreg:$0x8];
	[sflag:s11] =	ssyncadd.s32 $0xFFFFE800  }
0x51: {  	[tilespmem:s17], [sflag:$0x2] =	stream.indirect.gather [spmem:s2], $0x30, s12, s15, $0xb8;
	[tilespmem:$0x13100] =	vst v63  }
0x52: {  	_ =	swait.ge [sflag:s18], $0x1800  }
0x53: {  	[sflag:s18] =	ssyncset.done $0x0  }
0x54: {  	s8 =	rddreg [dreg:$0x9];
	[sflag:s18] =	ssyncadd.s32 $0xFFFFE800  }
0x55: {  	[spmem:s3] =	stream.indirect.scatter.add.bf16 [tilespmem:s16], [sflag:$0x3], $0x30, s8, s15, $0xb8;
	[tilespmem:$0x13100] =	vst v63  }
0x56: {  	_ =	swait.ge [sflag:s11], $0x1800  }
0x57: {  	[sflag:s11] =	ssyncset.done $0x0  }
0x58: {  	s10 =	rddreg [dreg:$0xa];
	[sflag:s11] =	ssyncadd.s32 $0xFFFFE800  }
0x59: {  	[tilespmem:s16], [sflag:$0x1] =	stream.indirect.gather [spmem:s2], $0x30, s10, s15, $0xb8;
	[tilespmem:$0x13100] =	vst v63  }
0x5a: {  	_ =	swait.ge [sflag:s19], $0x1800  }
0x5b: {  	[sflag:s19] =	ssyncset.done $0x0  }
0x5c: {  	s12 =	rddreg [dreg:$0xb];
	[sflag:s19] =	ssyncadd.s32 $0xFFFFE800  }
0x5d: {  	[spmem:s3] =	stream.indirect.scatter.add.bf16 [tilespmem:s17], [sflag:$0x3], $0x30, s12, s15, $0xb8;
	[tilespmem:$0x13100] =	vst v63  }
0x5e: {  	_ =	swait.ge [sflag:s11], $0x1800  }
0x5f: {  	[sflag:s11] =	ssyncset.done $0x0  }
0x60: {  	s8 =	rddreg [dreg:$0xc];
	[sflag:s11] =	ssyncadd.s32 $0xFFFFE800  }
0x61: {  	[tilespmem:s17], [sflag:$0x2] =	stream.indirect.gather [spmem:s2], $0x30, s8, s15, $0xb8;
	[tilespmem:$0x13100] =	vst v63  }
0x62: {  	_ =	swait.ge [sflag:s18], $0x1800  }
0x63: {  	[sflag:s18] =	ssyncset.done $0x0  }
0x64: {  	s10 =	rddreg [dreg:$0xd];
	[sflag:s18] =	ssyncadd.s32 $0xFFFFE800  }
0x65: {  	[spmem:s3] =	stream.indirect.scatter.add.bf16 [tilespmem:s16], [sflag:$0x3], $0x30, s10, s15, $0xb8;
	[tilespmem:$0x13100] =	vst v63  }
0x66: {  	_ =	swait.ge [sflag:s11], $0x1800  }
0x67: {  	[sflag:s11] =	ssyncset.done $0x0  }
0x68: {  	s12 =	rddreg [dreg:$0xe];
	[sflag:s11] =	ssyncadd.s32 $0xFFFFE800  }
0x69: {  	[tilespmem:s16], [sflag:$0x1] =	stream.indirect.gather [spmem:s2], $0x30, s12, s15, $0xb8;
	[tilespmem:$0x13100] =	vst v63  }
0x6a: {  	_ =	swait.ge [sflag:s19], $0x1800  }
0x6b: {  	[sflag:s19] =	ssyncset.done $0x0  }
0x6c: {  	s8 =	rddreg [dreg:$0xf];
	[sflag:s19] =	ssyncadd.s32 $0xFFFFE800  }
0x6d: {  	[spmem:s3] =	stream.indirect.scatter.add.bf16 [tilespmem:s17], [sflag:$0x3], $0x30, s8, s15, $0xb8;
	[tilespmem:$0x13100] =	vst v63  }
0x6e: {  	_ =	swait.ge [sflag:s11], $0x1800  }
0x6f: {  	[sflag:s11] =	ssyncset.done $0x0  }
0x70: {  	s10 =	rddreg [dreg:$0x10];
	[sflag:s11] =	ssyncadd.s32 $0xFFFFE800  }
0x71: {  	[tilespmem:s17], [sflag:$0x2] =	stream.indirect.gather [spmem:s2], $0x30, s10, s15, $0xb8;
	[tilespmem:$0x13100] =	vst v63  }
0x72: {  	_ =	swait.ge [sflag:s18], $0x1800  }
0x73: {  	[sflag:s18] =	ssyncset.done $0x0  }
0x74: {  	s12 =	rddreg [dreg:$0x11];
	[sflag:s18] =	ssyncadd.s32 $0xFFFFE800  }
0x75: {  	[spmem:s3] =	stream.indirect.scatter.add.bf16 [tilespmem:s16], [sflag:$0x3], $0x30, s12, s15, $0xb8;
	[tilespmem:$0x13100] =	vst v63  }
0x76: {  	_ =	swait.ge [sflag:s11], $0x1800  }
0x77: {  	[sflag:s11] =	ssyncset.done $0x0  }
0x78: {  	s8 =	rddreg [dreg:$0x12];
	[sflag:s11] =	ssyncadd.s32 $0xFFFFE800  }
0x79: {  	[tilespmem:s16], [sflag:$0x1] =	stream.indirect.gather [spmem:s2], $0x30, s8, s15, $0xb8;
	[tilespmem:$0x13100] =	vst v63  }
0x7a: {  	_ =	swait.ge [sflag:s19], $0x1800  }
0x7b: {  	[sflag:s19] =	ssyncset.done $0x0  }
0x7c: {  	s10 =	rddreg [dreg:$0x13];
	[sflag:s19] =	ssyncadd.s32 $0xFFFFE800  }
0x7d: {  	[spmem:s3] =	stream.indirect.scatter.add.bf16 [tilespmem:s17], [sflag:$0x3], $0x30, s10, s15, $0xb8;
	[tilespmem:$0x13100] =	vst v63  }
0x7e: {  	_ =	swait.ge [sflag:s11], $0x1800  }
0x7f: {  	[sflag:s11] =	ssyncset.done $0x0  }
0x80: {  	s12 =	rddreg [dreg:$0x14];
	[sflag:s11] =	ssyncadd.s32 $0xFFFFE800  }
0x81: {  	[tilespmem:s17], [sflag:$0x2] =	stream.indirect.gather [spmem:s2], $0x30, s12, s15, $0xb8;
	[tilespmem:$0x13100] =	vst v63  }
0x82: {  	_ =	swait.ge [sflag:s18], $0x1800  }
0x83: {  	[sflag:s18] =	ssyncset.done $0x0  }
0x84: {  	s8 =	rddreg [dreg:$0x15];
	[sflag:s18] =	ssyncadd.s32 $0xFFFFE800  }
0x85: {  	[spmem:s3] =	stream.indirect.scatter.add.bf16 [tilespmem:s16], [sflag:$0x3], $0x30, s8, s15, $0xb8;
	[tilespmem:$0x13100] =	vst v63  }
0x86: {  	_ =	swait.ge [sflag:s11], $0x1800  }
0x87: {  	[sflag:s11] =	ssyncset.done $0x0  }
0x88: {  	s10 =	rddreg [dreg:$0x16];
	[sflag:s11] =	ssyncadd.s32 $0xFFFFE800  }
0x89: {  	[tilespmem:s16], [sflag:$0x1] =	stream.indirect.gather [spmem:s2], $0x30, s10, s15, $0xb8;
	[tilespmem:$0x13100] =	vst v63  }
0x8a: {  	_ =	swait.ge [sflag:s19], $0x1800  }
0x8b: {  	[sflag:s19] =	ssyncset.done $0x0  }
0x8c: {  	s12 =	rddreg [dreg:$0x17];
	[sflag:s19] =	ssyncadd.s32 $0xFFFFE800  }
0x8d: {  	[spmem:s3] =	stream.indirect.scatter.add.bf16 [tilespmem:s17], [sflag:$0x3], $0x30, s12, s15, $0xb8;
	[tilespmem:$0x13100] =	vst v63  }
0x8e: {  	_ =	swait.ge [sflag:s11], $0x1800  }
0x8f: {  	[sflag:s11] =	ssyncset.done $0x0  }
0x90: {  	s8 =	rddreg [dreg:$0x18];
	[sflag:s11] =	ssyncadd.s32 $0xFFFFE800  }
0x91: {  	[tilespmem:s17], [sflag:$0x2] =	stream.indirect.gather [spmem:s2], $0x30, s8, s15, $0xb8;
	[tilespmem:$0x13100] =	vst v63  }
0x92: {  	_ =	swait.ge [sflag:s18], $0x1800  }
0x93: {  	[sflag:s18] =	ssyncset.done $0x0  }
0x94: {  	s10 =	rddreg [dreg:$0x19];
	[sflag:s18] =	ssyncadd.s32 $0xFFFFE800  }
0x95: {  	[spmem:s3] =	stream.indirect.scatter.add.bf16 [tilespmem:s16], [sflag:$0x3], $0x30, s10, s15, $0xb8;
	[tilespmem:$0x13100] =	vst v63  }
0x96: {  	_ =	swait.ge [sflag:s11], $0x1800  }
0x97: {  	[sflag:s11] =	ssyncset.done $0x0  }
0x98: {  	s12 =	rddreg [dreg:$0x1a];
	[sflag:s11] =	ssyncadd.s32 $0xFFFFE800  }
0x99: {  	[tilespmem:s16], [sflag:$0x1] =	stream.indirect.gather [spmem:s2], $0x30, s12, s15, $0xb8;
	[tilespmem:$0x13100] =	vst v63  }
0x9a: {  	_ =	swait.ge [sflag:s19], $0x1800  }
0x9b: {  	[sflag:s19] =	ssyncset.done $0x0  }
0x9c: {  	[sflag:s19] =	ssyncadd.s32 $0xFFFFE800  }
0x9d: {  	[spmem:s3] =	stream.indirect.scatter.add.bf16 [tilespmem:s17], [sflag:$0x3], $0x30, s20, s15, $0xb8;
	[tilespmem:$0x13100] =	vst v63  }
0x9e: {  	_ =	swait.ge [sflag:s11], $0x1800  }
0x9f: {  	[sflag:s11] =	ssyncset.done $0x0  }
0xa0: {  	[sflag:s11] =	ssyncadd.s32 $0xFFFFE800  }
0xa1: {  	[tilespmem:s17], [sflag:$0x2] =	stream.indirect.gather [spmem:s2], $0x30, s21, s15, $0xb8;
	[tilespmem:$0x13100] =	vst v63  }
0xa2: {  	_ =	swait.ge [sflag:s18], $0x1800  }
0xa3: {  	[sflag:s18] =	ssyncset.done $0x0  }
0xa4: {  	[sflag:s18] =	ssyncadd.s32 $0xFFFFE800  }
0xa5: {  	[spmem:s3] =	stream.indirect.scatter.add.bf16 [tilespmem:s16], [sflag:$0x3], $0x30, s22, s15, $0xb8;
	[tilespmem:$0x13100] =	vst v63  }
0xa6: {  	_ =	swait.ge [sflag:s11], $0x1800  }
0xa7: {  	[sflag:s11] =	ssyncset.done $0x0  }
0xa8: {  	[sflag:s11] =	ssyncadd.s32 $0xFFFFE800  }
0xa9: {  	[tilespmem:s16], [sflag:$0x1] =	stream.indirect.gather [spmem:s2], $0x30, s23, s15, $0xb8;
	[tilespmem:$0x13100] =	vst v63  }
0xaa: {  	_ =	swait.ge [sflag:s19], $0x1800  }
0xab: {  	[sflag:s19] =	ssyncset.done $0x0  }
0xac: {  	[sflag:s19] =	ssyncadd.s32 $0xFFFFE800  }
0xad: {  	[spmem:s3] =	stream.indirect.scatter.add.bf16 [tilespmem:s17], [sflag:$0x3], $0x30, s24, s15, $0xb8;
	[tilespmem:$0x13100] =	vst v63  }
0xae: {  	_ =	swait.ge [sflag:s11], $0x1800  }
0xaf: {  	[sflag:s11] =	ssyncset.done $0x0  }
0xb0: {  	[sflag:s11] =	ssyncadd.s32 $0xFFFFE800  }
0xb1: {  	[tilespmem:s17], [sflag:$0x2] =	stream.indirect.gather [spmem:s2], $0x30, s25, s15, $0xb8;
	[tilespmem:$0x13100] =	vst v63  }
0xb2: {  	_ =	swait.ge [sflag:s18], $0x1800  }
0xb3: {  	[sflag:s18] =	ssyncset.done $0x0  }
0xb4: {  	[sflag:s18] =	ssyncadd.s32 $0xFFFFE800  }
0xb5: {  	[spmem:s3] =	stream.indirect.scatter.add.bf16 [tilespmem:s16], [sflag:$0x3], $0x30, s26, s15, $0xb8;
	[tilespmem:$0x13100] =	vst v63  }
0xb6: {  	_ =	swait.ge [sflag:s11], $0x1800  }
0xb7: {  	[sflag:s11] =	ssyncset.done $0x0  }
0xb8: {  	[sflag:s11] =	ssyncadd.s32 $0xFFFFE800  }
0xb9: {  	[tilespmem:s16], [sflag:$0x1] =	stream.indirect.gather [spmem:s2], $0x30, s28, s15, $0xb8;
	[tilespmem:$0x13100] =	vst v63  }
0xba: {  	_ =	swait.ge [sflag:s19], $0x1800  }
0xbb: {  	[sflag:s19] =	ssyncset.done $0x0  }
0xbc: {  	[sflag:s19] =	ssyncadd.s32 $0xFFFFE800  }
0xbd: {  	[spmem:s3] =	stream.indirect.scatter.add.bf16 [tilespmem:s17], [sflag:$0x3], $0x30, s29, s15, $0xb8;
	[tilespmem:$0x13100] =	vst v63  }
0xbe: {  	_ =	swait.ge [sflag:s11], $0x1800  }
0xbf: {  	[sflag:s11] =	ssyncset.done $0x0  }
0xc0: {  	[sflag:s11] =	ssyncadd.s32 $0xFFFFE800  }
0xc1: {  	[tilespmem:s17], [sflag:$0x2] =	stream.indirect.gather [spmem:s2], $0x30, s30, s15, $0xb8;
	[tilespmem:$0x13100] =	vst v63  }
0xc2: {  	_ =	swait.ge [sflag:s18], $0x1800  }
0xc3: {  	[sflag:s18] =	ssyncset.done $0x0  }
0xc4: {  	[sflag:s18] =	ssyncadd.s32 $0xFFFFE800  }
0xc5: {  	[spmem:s3] =	stream.indirect.scatter.add.bf16 [tilespmem:s16], [sflag:$0x3], $0x30, s31, s15, $0xb8;
	[tilespmem:$0x13100] =	vst v63  }
0xc6: {  	_ =	swait.ge [sflag:s11], $0x1800  }
0xc7: {  	[sflag:s11] =	ssyncset.done $0x0  }
0xc8: {  	[sflag:s11] =	ssyncadd.s32 $0xFFFFE800  }
0xc9: {  	[tilespmem:s16], [sflag:$0x1] =	stream.indirect.gather [spmem:s2], $0x30, s0, s15, $0xb8;
	[tilespmem:$0x13100] =	vst v63  }
0xca: {  	_ =	swait.ge [sflag:s19], $0x1800  }
0xcb: {  	[sflag:s19] =	ssyncset.done $0x0  }
0xcc: {  	[sflag:s19] =	ssyncadd.s32 $0xFFFFE800  }
0xcd: {  	[spmem:s3] =	stream.indirect.scatter.add.bf16 [tilespmem:s17], [sflag:$0x3], $0x30, s1, s15, $0xb8;
	[tilespmem:$0x13100] =	vst v63  }
0xce: {  	_ =	swait.ge [sflag:s11], $0x1800  }
0xcf: {  	[sflag:s11] =	ssyncset.done $0x0  }
0xd0: {  	[sflag:s11] =	ssyncadd.s32 $0xFFFFE800  }
0xd1: {  	[tilespmem:s17], [sflag:$0x2] =	stream.indirect.gather [spmem:s2], $0x30, s5, s15, $0xb8;
	[tilespmem:$0x13100] =	vst v63  }
0xd2: {  	_ =	swait.ge [sflag:s18], $0x1800  }
0xd3: {  	[sflag:s18] =	ssyncset.done $0x0  }
0xd4: {  	[sflag:s18] =	ssyncadd.s32 $0xFFFFE800  }
0xd5: {  	[spmem:s3] =	stream.indirect.scatter.add.bf16 [tilespmem:s16], [sflag:$0x3], $0x30, s6, s15, $0xb8;
	[tilespmem:$0x13100] =	vst v63  }
0xd6: {  	_ =	swait.ge [sflag:s11], $0x1800  }
0xd7: {  	[sflag:s11] =	ssyncset.done $0x0  }
0xd8: {  	[sflag:s11] =	ssyncadd.s32 $0xFFFFE800  }
0xd9: {  	_ =	swait.ge [sflag:s19], $0x1800  }
0xda: {  	[sflag:s19] =	ssyncset.done $0x0  }
0xdb: {  	[sflag:s19] =	ssyncadd.s32 $0xFFFFE800  }
0xdc: {  	[spmem:s3] =	stream.indirect.scatter.add.bf16 [tilespmem:s17], [sflag:$0x3], $0x30, s7, s15, $0xb8;
	[tilespmem:$0x13100] =	vst v63  }
0xdd: {  	s10 =	simm.s32 $0x140;
	_ =	swait.ge [sflag:s11], $0x1800  }
0xde: {  	s12 =	simm.s32 $0x280;
	s9 =	rddreg [dreg:$0x4];
	[sflag:s11] =	ssyncset.done $0x0  }
.LBB2_2:
0xdf: {  	[sflag:s11] =	ssyncadd.s32 $0xFFFFE800;
	s9 =	sadd.s32 s10, s9  }
0xe0: {  	[tilespmem:s13], [sflag:$0x3] =	stream.linear.gather [hbm4b:s9+s4], $0xA00, $0x38;
	[tilespmem:$0x13100] =	vst v63  }
0xe1: {  	_ =	swait.ge [sflag:s11], $0xA00  }
0xe2: {  	[sflag:s11] =	ssyncset.done $0x0  }
0xe3: {  	s9 =	sadd.s32 $0xA000, s9;
	[sflag:s11] =	ssyncadd.s32 $0xFFFFF600  }
0xe4: {  	[tilespmem:s14], [sflag:$0x3] =	stream.linear.gather [hbm4b:s9+s4], $0xA00, $0x38;
	[tilespmem:$0x13100] =	vst v63  }
0xe5: {  	_ =	swait.ge [sflag:s11], $0xA00  }
0xe6: {  	[sflag:s11] =	ssyncset.done $0x0  }
0xe7: {  	[sflag:s11] =	ssyncadd.s32 $0xFFFFF600  }
0xe8: {  	[tilespmem:s16], [sflag:$0x1] =	stream.indirect.gather [spmem:s2], $0x30, s13, s15, $0xb8;
	[tilespmem:$0x13100] =	vst v63  }
0xe9: {  	s9 =	rddreg [dreg:$0x5]  }
0xea: {  	[tilespmem:s17], [sflag:$0x2] =	stream.indirect.gather [spmem:s2], $0x30, s9, s15, $0xb8;
	[tilespmem:$0x13100] =	vst v63  }
0xeb: {  	_ =	swait.ge [sflag:s18], $0x1800  }
0xec: {  	[sflag:s18] =	ssyncset.done $0x0  }
0xed: {  	[sflag:s18] =	ssyncadd.s32 $0xFFFFE800  }
0xee: {  	[spmem:s3] =	stream.indirect.scatter.add.bf16 [tilespmem:s16], [sflag:$0x3], $0x30, s14, s15, $0xb8;
	[tilespmem:$0x13100] =	vst v63  }
0xef: {  	_ =	swait.ge [sflag:s11], $0x1800  }
0xf0: {  	[sflag:s11] =	ssyncset.done $0x0  }
0xf1: {  	s9 =	rddreg [dreg:$0x6];
	[sflag:s11] =	ssyncadd.s32 $0xFFFFE800  }
0xf2: {  	[tilespmem:s16], [sflag:$0x1] =	stream.indirect.gather [spmem:s2], $0x30, s9, s15, $0xb8;
	[tilespmem:$0x13100] =	vst v63  }
0xf3: {  	_ =	swait.ge [sflag:s19], $0x1800  }
0xf4: {  	[sflag:s19] =	ssyncset.done $0x0  }
0xf5: {  	s9 =	rddreg [dreg:$0x7];
	[sflag:s19] =	ssyncadd.s32 $0xFFFFE800  }
0xf6: {  	[spmem:s3] =	stream.indirect.scatter.add.bf16 [tilespmem:s17], [sflag:$0x3], $0x30, s9, s15, $0xb8;
	[tilespmem:$0x13100] =	vst v63  }
0xf7: {  	_ =	swait.ge [sflag:s11], $0x1800  }
0xf8: {  	[sflag:s11] =	ssyncset.done $0x0  }
0xf9: {  	s9 =	rddreg [dreg:$0x8];
	[sflag:s11] =	ssyncadd.s32 $0xFFFFE800  }
0xfa: {  	[tilespmem:s17], [sflag:$0x2] =	stream.indirect.gather [spmem:s2], $0x30, s9, s15, $0xb8;
	[tilespmem:$0x13100] =	vst v63  }
0xfb: {  	_ =	swait.ge [sflag:s18], $0x1800  }
0xfc: {  	[sflag:s18] =	ssyncset.done $0x0  }
0xfd: {  	s9 =	rddreg [dreg:$0x9];
	[sflag:s18] =	ssyncadd.s32 $0xFFFFE800  }
0xfe: {  	[spmem:s3] =	stream.indirect.scatter.add.bf16 [tilespmem:s16], [sflag:$0x3], $0x30, s9, s15, $0xb8;
	[tilespmem:$0x13100] =	vst v63  }
0xff: {  	_ =	swait.ge [sflag:s11], $0x1800  }
0x100: {  	[sflag:s11] =	ssyncset.done $0x0  }
0x101: {  	s9 =	rddreg [dreg:$0xa];
	[sflag:s11] =	ssyncadd.s32 $0xFFFFE800  }
0x102: {  	[tilespmem:s16], [sflag:$0x1] =	stream.indirect.gather [spmem:s2], $0x30, s9, s15, $0xb8;
	[tilespmem:$0x13100] =	vst v63  }
0x103: {  	_ =	swait.ge [sflag:s19], $0x1800  }
0x104: {  	[sflag:s19] =	ssyncset.done $0x0  }
0x105: {  	s9 =	rddreg [dreg:$0xb];
	[sflag:s19] =	ssyncadd.s32 $0xFFFFE800  }
0x106: {  	[spmem:s3] =	stream.indirect.scatter.add.bf16 [tilespmem:s17], [sflag:$0x3], $0x30, s9, s15, $0xb8;
	[tilespmem:$0x13100] =	vst v63  }
0x107: {  	_ =	swait.ge [sflag:s11], $0x1800  }
0x108: {  	[sflag:s11] =	ssyncset.done $0x0  }
0x109: {  	s9 =	rddreg [dreg:$0xc];
	[sflag:s11] =	ssyncadd.s32 $0xFFFFE800  }
0x10a: {  	[tilespmem:s17], [sflag:$0x2] =	stream.indirect.gather [spmem:s2], $0x30, s9, s15, $0xb8;
	[tilespmem:$0x13100] =	vst v63  }
0x10b: {  	_ =	swait.ge [sflag:s18], $0x1800  }
0x10c: {  	[sflag:s18] =	ssyncset.done $0x0  }
0x10d: {  	s9 =	rddreg [dreg:$0xd];
	[sflag:s18] =	ssyncadd.s32 $0xFFFFE800  }
0x10e: {  	[spmem:s3] =	stream.indirect.scatter.add.bf16 [tilespmem:s16], [sflag:$0x3], $0x30, s9, s15, $0xb8;
	[tilespmem:$0x13100] =	vst v63  }
0x10f: {  	_ =	swait.ge [sflag:s11], $0x1800  }
0x110: {  	[sflag:s11] =	ssyncset.done $0x0  }
0x111: {  	s9 =	rddreg [dreg:$0xe];
	[sflag:s11] =	ssyncadd.s32 $0xFFFFE800  }
0x112: {  	[tilespmem:s16], [sflag:$0x1] =	stream.indirect.gather [spmem:s2], $0x30, s9, s15, $0xb8;
	[tilespmem:$0x13100] =	vst v63  }
0x113: {  	_ =	swait.ge [sflag:s19], $0x1800  }
0x114: {  	[sflag:s19] =	ssyncset.done $0x0  }
0x115: {  	s9 =	rddreg [dreg:$0xf];
	[sflag:s19] =	ssyncadd.s32 $0xFFFFE800  }
0x116: {  	[spmem:s3] =	stream.indirect.scatter.add.bf16 [tilespmem:s17], [sflag:$0x3], $0x30, s9, s15, $0xb8;
	[tilespmem:$0x13100] =	vst v63  }
0x117: {  	_ =	swait.ge [sflag:s11], $0x1800  }
0x118: {  	[sflag:s11] =	ssyncset.done $0x0  }
0x119: {  	s9 =	rddreg [dreg:$0x10];
	[sflag:s11] =	ssyncadd.s32 $0xFFFFE800  }
0x11a: {  	[tilespmem:s17], [sflag:$0x2] =	stream.indirect.gather [spmem:s2], $0x30, s9, s15, $0xb8;
	[tilespmem:$0x13100] =	vst v63  }
0x11b: {  	_ =	swait.ge [sflag:s18], $0x1800  }
0x11c: {  	[sflag:s18] =	ssyncset.done $0x0  }
0x11d: {  	s9 =	rddreg [dreg:$0x11];
	[sflag:s18] =	ssyncadd.s32 $0xFFFFE800  }
0x11e: {  	[spmem:s3] =	stream.indirect.scatter.add.bf16 [tilespmem:s16], [sflag:$0x3], $0x30, s9, s15, $0xb8;
	[tilespmem:$0x13100] =	vst v63  }
0x11f: {  	_ =	swait.ge [sflag:s11], $0x1800  }
0x120: {  	[sflag:s11] =	ssyncset.done $0x0  }
0x121: {  	s9 =	rddreg [dreg:$0x12];
	[sflag:s11] =	ssyncadd.s32 $0xFFFFE800  }
0x122: {  	[tilespmem:s16], [sflag:$0x1] =	stream.indirect.gather [spmem:s2], $0x30, s9, s15, $0xb8;
	[tilespmem:$0x13100] =	vst v63  }
0x123: {  	_ =	swait.ge [sflag:s19], $0x1800  }
0x124: {  	[sflag:s19] =	ssyncset.done $0x0  }
0x125: {  	s9 =	rddreg [dreg:$0x13];
	[sflag:s19] =	ssyncadd.s32 $0xFFFFE800  }
0x126: {  	[spmem:s3] =	stream.indirect.scatter.add.bf16 [tilespmem:s17], [sflag:$0x3], $0x30, s9, s15, $0xb8;
	[tilespmem:$0x13100] =	vst v63  }
0x127: {  	_ =	swait.ge [sflag:s11], $0x1800  }
0x128: {  	[sflag:s11] =	ssyncset.done $0x0  }
0x129: {  	s9 =	rddreg [dreg:$0x14];
	[sflag:s11] =	ssyncadd.s32 $0xFFFFE800  }
0x12a: {  	[tilespmem:s17], [sflag:$0x2] =	stream.indirect.gather [spmem:s2], $0x30, s9, s15, $0xb8;
	[tilespmem:$0x13100] =	vst v63  }
0x12b: {  	_ =	swait.ge [sflag:s18], $0x1800  }
0x12c: {  	[sflag:s18] =	ssyncset.done $0x0  }
0x12d: {  	s9 =	rddreg [dreg:$0x15];
	[sflag:s18] =	ssyncadd.s32 $0xFFFFE800  }
0x12e: {  	[spmem:s3] =	stream.indirect.scatter.add.bf16 [tilespmem:s16], [sflag:$0x3], $0x30, s9, s15, $0xb8;
	[tilespmem:$0x13100] =	vst v63  }
0x12f: {  	_ =	swait.ge [sflag:s11], $0x1800  }
0x130: {  	[sflag:s11] =	ssyncset.done $0x0  }
0x131: {  	s9 =	rddreg [dreg:$0x16];
	[sflag:s11] =	ssyncadd.s32 $0xFFFFE800  }
0x132: {  	[tilespmem:s16], [sflag:$0x1] =	stream.indirect.gather [spmem:s2], $0x30, s9, s15, $0xb8;
	[tilespmem:$0x13100] =	vst v63  }
0x133: {  	_ =	swait.ge [sflag:s19], $0x1800  }
0x134: {  	[sflag:s19] =	ssyncset.done $0x0  }
0x135: {  	s9 =	rddreg [dreg:$0x17];
	[sflag:s19] =	ssyncadd.s32 $0xFFFFE800  }
0x136: {  	[spmem:s3] =	stream.indirect.scatter.add.bf16 [tilespmem:s17], [sflag:$0x3], $0x30, s9, s15, $0xb8;
	[tilespmem:$0x13100] =	vst v63  }
0x137: {  	_ =	swait.ge [sflag:s11], $0x1800  }
0x138: {  	[sflag:s11] =	ssyncset.done $0x0  }
0x139: {  	s9 =	rddreg [dreg:$0x18];
	[sflag:s11] =	ssyncadd.s32 $0xFFFFE800  }
0x13a: {  	[tilespmem:s17], [sflag:$0x2] =	stream.indirect.gather [spmem:s2], $0x30, s9, s15, $0xb8;
	[tilespmem:$0x13100] =	vst v63  }
0x13b: {  	_ =	swait.ge [sflag:s18], $0x1800  }
0x13c: {  	[sflag:s18] =	ssyncset.done $0x0  }
0x13d: {  	s9 =	rddreg [dreg:$0x19];
	[sflag:s18] =	ssyncadd.s32 $0xFFFFE800  }
0x13e: {  	[spmem:s3] =	stream.indirect.scatter.add.bf16 [tilespmem:s16], [sflag:$0x3], $0x30, s9, s15, $0xb8;
	[tilespmem:$0x13100] =	vst v63  }
0x13f: {  	_ =	swait.ge [sflag:s11], $0x1800  }
0x140: {  	[sflag:s11] =	ssyncset.done $0x0  }
0x141: {  	s9 =	rddreg [dreg:$0x1a];
	[sflag:s11] =	ssyncadd.s32 $0xFFFFE800  }
0x142: {  	[tilespmem:s16], [sflag:$0x1] =	stream.indirect.gather [spmem:s2], $0x30, s9, s15, $0xb8;
	[tilespmem:$0x13100] =	vst v63  }
0x143: {  	_ =	swait.ge [sflag:s19], $0x1800  }
0x144: {  	[sflag:s19] =	ssyncset.done $0x0  }
0x145: {  	[sflag:s19] =	ssyncadd.s32 $0xFFFFE800  }
0x146: {  	[spmem:s3] =	stream.indirect.scatter.add.bf16 [tilespmem:s17], [sflag:$0x3], $0x30, s20, s15, $0xb8;
	[tilespmem:$0x13100] =	vst v63  }
0x147: {  	_ =	swait.ge [sflag:s11], $0x1800  }
0x148: {  	[sflag:s11] =	ssyncset.done $0x0  }
0x149: {  	[sflag:s11] =	ssyncadd.s32 $0xFFFFE800  }
0x14a: {  	[tilespmem:s17], [sflag:$0x2] =	stream.indirect.gather [spmem:s2], $0x30, s21, s15, $0xb8;
	[tilespmem:$0x13100] =	vst v63  }
0x14b: {  	_ =	swait.ge [sflag:s18], $0x1800  }
0x14c: {  	[sflag:s18] =	ssyncset.done $0x0  }
0x14d: {  	[sflag:s18] =	ssyncadd.s32 $0xFFFFE800  }
0x14e: {  	[spmem:s3] =	stream.indirect.scatter.add.bf16 [tilespmem:s16], [sflag:$0x3], $0x30, s22, s15, $0xb8;
	[tilespmem:$0x13100] =	vst v63  }
0x14f: {  	_ =	swait.ge [sflag:s11], $0x1800  }
0x150: {  	[sflag:s11] =	ssyncset.done $0x0  }
0x151: {  	[sflag:s11] =	ssyncadd.s32 $0xFFFFE800  }
0x152: {  	[tilespmem:s16], [sflag:$0x1] =	stream.indirect.gather [spmem:s2], $0x30, s23, s15, $0xb8;
	[tilespmem:$0x13100] =	vst v63  }
0x153: {  	_ =	swait.ge [sflag:s19], $0x1800  }
0x154: {  	[sflag:s19] =	ssyncset.done $0x0  }
0x155: {  	[sflag:s19] =	ssyncadd.s32 $0xFFFFE800  }
0x156: {  	[spmem:s3] =	stream.indirect.scatter.add.bf16 [tilespmem:s17], [sflag:$0x3], $0x30, s24, s15, $0xb8;
	[tilespmem:$0x13100] =	vst v63  }
0x157: {  	_ =	swait.ge [sflag:s11], $0x1800  }
0x158: {  	[sflag:s11] =	ssyncset.done $0x0  }
0x159: {  	[sflag:s11] =	ssyncadd.s32 $0xFFFFE800  }
0x15a: {  	[tilespmem:s17], [sflag:$0x2] =	stream.indirect.gather [spmem:s2], $0x30, s25, s15, $0xb8;
	[tilespmem:$0x13100] =	vst v63  }
0x15b: {  	_ =	swait.ge [sflag:s18], $0x1800  }
0x15c: {  	[sflag:s18] =	ssyncset.done $0x0  }
0x15d: {  	[sflag:s18] =	ssyncadd.s32 $0xFFFFE800  }
0x15e: {  	[spmem:s3] =	stream.indirect.scatter.add.bf16 [tilespmem:s16], [sflag:$0x3], $0x30, s26, s15, $0xb8;
	[tilespmem:$0x13100] =	vst v63  }
0x15f: {  	_ =	swait.ge [sflag:s11], $0x1800  }
0x160: {  	[sflag:s11] =	ssyncset.done $0x0  }
0x161: {  	[sflag:s11] =	ssyncadd.s32 $0xFFFFE800  }
0x162: {  	[tilespmem:s16], [sflag:$0x1] =	stream.indirect.gather [spmem:s2], $0x30, s28, s15, $0xb8;
	[tilespmem:$0x13100] =	vst v63  }
0x163: {  	_ =	swait.ge [sflag:s19], $0x1800  }
0x164: {  	[sflag:s19] =	ssyncset.done $0x0  }
0x165: {  	[sflag:s19] =	ssyncadd.s32 $0xFFFFE800  }
0x166: {  	[spmem:s3] =	stream.indirect.scatter.add.bf16 [tilespmem:s17], [sflag:$0x3], $0x30, s29, s15, $0xb8;
	[tilespmem:$0x13100] =	vst v63  }
0x167: {  	_ =	swait.ge [sflag:s11], $0x1800  }
0x168: {  	[sflag:s11] =	ssyncset.done $0x0  }
0x169: {  	[sflag:s11] =	ssyncadd.s32 $0xFFFFE800  }
0x16a: {  	[tilespmem:s17], [sflag:$0x2] =	stream.indirect.gather [spmem:s2], $0x30, s30, s15, $0xb8;
	[tilespmem:$0x13100] =	vst v63  }
0x16b: {  	_ =	swait.ge [sflag:s18], $0x1800  }
0x16c: {  	[sflag:s18] =	ssyncset.done $0x0  }
0x16d: {  	[sflag:s18] =	ssyncadd.s32 $0xFFFFE800  }
0x16e: {  	[spmem:s3] =	stream.indirect.scatter.add.bf16 [tilespmem:s16], [sflag:$0x3], $0x30, s31, s15, $0xb8;
	[tilespmem:$0x13100] =	vst v63  }
0x16f: {  	_ =	swait.ge [sflag:s11], $0x1800  }
0x170: {  	[sflag:s11] =	ssyncset.done $0x0  }
0x171: {  	[sflag:s11] =	ssyncadd.s32 $0xFFFFE800  }
0x172: {  	[tilespmem:s16], [sflag:$0x1] =	stream.indirect.gather [spmem:s2], $0x30, s0, s15, $0xb8;
	[tilespmem:$0x13100] =	vst v63  }
0x173: {  	_ =	swait.ge [sflag:s19], $0x1800  }
0x174: {  	[sflag:s19] =	ssyncset.done $0x0  }
0x175: {  	[sflag:s19] =	ssyncadd.s32 $0xFFFFE800  }
0x176: {  	[spmem:s3] =	stream.indirect.scatter.add.bf16 [tilespmem:s17], [sflag:$0x3], $0x30, s1, s15, $0xb8;
	[tilespmem:$0x13100] =	vst v63  }
0x177: {  	_ =	swait.ge [sflag:s11], $0x1800  }
0x178: {  	[sflag:s11] =	ssyncset.done $0x0  }
0x179: {  	[sflag:s11] =	ssyncadd.s32 $0xFFFFE800  }
0x17a: {  	[tilespmem:s17], [sflag:$0x2] =	stream.indirect.gather [spmem:s2], $0x30, s5, s15, $0xb8;
	[tilespmem:$0x13100] =	vst v63  }
0x17b: {  	_ =	swait.ge [sflag:s18], $0x1800  }
0x17c: {  	[sflag:s18] =	ssyncset.done $0x0  }
0x17d: {  	[sflag:s18] =	ssyncadd.s32 $0xFFFFE800  }
0x17e: {  	[spmem:s3] =	stream.indirect.scatter.add.bf16 [tilespmem:s16], [sflag:$0x3], $0x30, s6, s15, $0xb8;
	[tilespmem:$0x13100] =	vst v63  }
0x17f: {  	_ =	swait.ge [sflag:s11], $0x1800  }
0x180: {  	[sflag:s11] =	ssyncset.done $0x0  }
0x181: {  	[sflag:s11] =	ssyncadd.s32 $0xFFFFE800  }
0x182: {  	p0 =	sne.s32 s12, $0x8C0;
	_ =	swait.ge [sflag:s19], $0x1800  }
.Ltmp0:
0x183: {  	[sflag:s19] =	ssyncset.done $0x0;
	(pc) =	sbr.rel @p0 .LBB2_2-.Ltmp0, $4  }
0x184: {  	[sflag:s19] =	ssyncadd.s32 $0xFFFFE800  }
0x185: {  	[spmem:s3] =	stream.indirect.scatter.add.bf16 [tilespmem:s17], [sflag:$0x3], $0x30, s7, s15, $0xb8;
	[tilespmem:$0x13100] =	vst v63  }
0x186: {  	s8 =	smov.u32 s12;
	s12 =	sadd.s32 $0x140, s12;
	_ =	swait.ge [sflag:s11], $0x1800  }
0x187: {  	s10 =	smov.u32 s8;
	s9 =	rddreg [dreg:$0x4];
	[sflag:s11] =	ssyncset.done $0x0  }
0x188: {  	s8 =	sadd.s32 s10, s9;
	[sflag:s11] =	ssyncadd.s32 $0xFFFFE800  }
0x189: {  	[tilespmem:s13], [sflag:$0x3] =	stream.linear.gather [hbm4b:s8+s4], $0xA00, $0x38;
	[tilespmem:$0x13100] =	vst v63  }
0x18a: {  	_ =	swait.ge [sflag:s11], $0xA00  }
0x18b: {  	[sflag:s11] =	ssyncset.done $0x0  }
0x18c: {  	s8 =	sadd.s32 $0xA000, s8;
	[sflag:s11] =	ssyncadd.s32 $0xFFFFF600  }
0x18d: {  	[tilespmem:s14], [sflag:$0x3] =	stream.linear.gather [hbm4b:s8+s4], $0xA00, $0x38;
	[tilespmem:$0x13100] =	vst v63  }
0x18e: {  	_ =	swait.ge [sflag:s11], $0xA00  }
0x18f: {  	[sflag:s11] =	ssyncset.done $0x0  }
0x190: {  	[sflag:s11] =	ssyncadd.s32 $0xFFFFF600  }
0x191: {  	[tilespmem:s16], [sflag:$0x1] =	stream.indirect.gather [spmem:s2], $0x30, s13, s15, $0xb8;
	[tilespmem:$0x13100] =	vst v63  }
0x192: {  	s9 =	rddreg [dreg:$0x5]  }
0x193: {  	[tilespmem:s17], [sflag:$0x2] =	stream.indirect.gather [spmem:s2], $0x30, s9, s15, $0xb8;
	[tilespmem:$0x13100] =	vst v63  }
0x194: {  	_ =	swait.ge [sflag:s18], $0x1800  }
0x195: {  	[sflag:s18] =	ssyncset.done $0x0  }
0x196: {  	[sflag:s18] =	ssyncadd.s32 $0xFFFFE800  }
0x197: {  	[spmem:s3] =	stream.indirect.scatter.add.bf16 [tilespmem:s16], [sflag:$0x3], $0x30, s14, s15, $0xb8;
	[tilespmem:$0x13100] =	vst v63  }
0x198: {  	_ =	swait.ge [sflag:s11], $0x1800  }
0x199: {  	[sflag:s11] =	ssyncset.done $0x0  }
0x19a: {  	s10 =	rddreg [dreg:$0x6];
	[sflag:s11] =	ssyncadd.s32 $0xFFFFE800  }
0x19b: {  	[tilespmem:s16], [sflag:$0x1] =	stream.indirect.gather [spmem:s2], $0x30, s10, s15, $0xb8;
	[tilespmem:$0x13100] =	vst v63  }
0x19c: {  	_ =	swait.ge [sflag:s19], $0x1800  }
0x19d: {  	[sflag:s19] =	ssyncset.done $0x0  }
0x19e: {  	s12 =	rddreg [dreg:$0x7];
	[sflag:s19] =	ssyncadd.s32 $0xFFFFE800  }
0x19f: {  	[spmem:s3] =	stream.indirect.scatter.add.bf16 [tilespmem:s17], [sflag:$0x3], $0x30, s12, s15, $0xb8;
	[tilespmem:$0x13100] =	vst v63  }
0x1a0: {  	_ =	swait.ge [sflag:s11], $0x1800  }
0x1a1: {  	[sflag:s11] =	ssyncset.done $0x0  }
0x1a2: {  	s9 =	rddreg [dreg:$0x8];
	[sflag:s11] =	ssyncadd.s32 $0xFFFFE800  }
0x1a3: {  	[tilespmem:s17], [sflag:$0x2] =	stream.indirect.gather [spmem:s2], $0x30, s9, s15, $0xb8;
	[tilespmem:$0x13100] =	vst v63  }
0x1a4: {  	_ =	swait.ge [sflag:s18], $0x1800  }
0x1a5: {  	[sflag:s18] =	ssyncset.done $0x0  }
0x1a6: {  	s10 =	rddreg [dreg:$0x9];
	[sflag:s18] =	ssyncadd.s32 $0xFFFFE800  }
0x1a7: {  	[spmem:s3] =	stream.indirect.scatter.add.bf16 [tilespmem:s16], [sflag:$0x3], $0x30, s10, s15, $0xb8;
	[tilespmem:$0x13100] =	vst v63  }
0x1a8: {  	_ =	swait.ge [sflag:s11], $0x1800  }
0x1a9: {  	[sflag:s11] =	ssyncset.done $0x0  }
0x1aa: {  	s12 =	rddreg [dreg:$0xa];
	[sflag:s11] =	ssyncadd.s32 $0xFFFFE800  }
0x1ab: {  	[tilespmem:s16], [sflag:$0x1] =	stream.indirect.gather [spmem:s2], $0x30, s12, s15, $0xb8;
	[tilespmem:$0x13100] =	vst v63  }
0x1ac: {  	_ =	swait.ge [sflag:s19], $0x1800  }
0x1ad: {  	[sflag:s19] =	ssyncset.done $0x0  }
0x1ae: {  	s9 =	rddreg [dreg:$0xb];
	[sflag:s19] =	ssyncadd.s32 $0xFFFFE800  }
0x1af: {  	[spmem:s3] =	stream.indirect.scatter.add.bf16 [tilespmem:s17], [sflag:$0x3], $0x30, s9, s15, $0xb8;
	[tilespmem:$0x13100] =	vst v63  }
0x1b0: {  	_ =	swait.ge [sflag:s11], $0x1800  }
0x1b1: {  	[sflag:s11] =	ssyncset.done $0x0  }
0x1b2: {  	s10 =	rddreg [dreg:$0xc];
	[sflag:s11] =	ssyncadd.s32 $0xFFFFE800  }
0x1b3: {  	[tilespmem:s17], [sflag:$0x2] =	stream.indirect.gather [spmem:s2], $0x30, s10, s15, $0xb8;
	[tilespmem:$0x13100] =	vst v63  }
0x1b4: {  	_ =	swait.ge [sflag:s18], $0x1800  }
0x1b5: {  	[sflag:s18] =	ssyncset.done $0x0  }
0x1b6: {  	s12 =	rddreg [dreg:$0xd];
	[sflag:s18] =	ssyncadd.s32 $0xFFFFE800  }
0x1b7: {  	[spmem:s3] =	stream.indirect.scatter.add.bf16 [tilespmem:s16], [sflag:$0x3], $0x30, s12, s15, $0xb8;
	[tilespmem:$0x13100] =	vst v63  }
0x1b8: {  	_ =	swait.ge [sflag:s11], $0x1800  }
0x1b9: {  	[sflag:s11] =	ssyncset.done $0x0  }
0x1ba: {  	s9 =	rddreg [dreg:$0xe];
	[sflag:s11] =	ssyncadd.s32 $0xFFFFE800  }
0x1bb: {  	[tilespmem:s16], [sflag:$0x1] =	stream.indirect.gather [spmem:s2], $0x30, s9, s15, $0xb8;
	[tilespmem:$0x13100] =	vst v63  }
0x1bc: {  	_ =	swait.ge [sflag:s19], $0x1800  }
0x1bd: {  	[sflag:s19] =	ssyncset.done $0x0  }
0x1be: {  	s10 =	rddreg [dreg:$0xf];
	[sflag:s19] =	ssyncadd.s32 $0xFFFFE800  }
0x1bf: {  	[spmem:s3] =	stream.indirect.scatter.add.bf16 [tilespmem:s17], [sflag:$0x3], $0x30, s10, s15, $0xb8;
	[tilespmem:$0x13100] =	vst v63  }
0x1c0: {  	_ =	swait.ge [sflag:s11], $0x1800  }
0x1c1: {  	[sflag:s11] =	ssyncset.done $0x0  }
0x1c2: {  	s12 =	rddreg [dreg:$0x10];
	[sflag:s11] =	ssyncadd.s32 $0xFFFFE800  }
0x1c3: {  	[tilespmem:s17], [sflag:$0x2] =	stream.indirect.gather [spmem:s2], $0x30, s12, s15, $0xb8;
	[tilespmem:$0x13100] =	vst v63  }
0x1c4: {  	_ =	swait.ge [sflag:s18], $0x1800  }
0x1c5: {  	[sflag:s18] =	ssyncset.done $0x0  }
0x1c6: {  	s9 =	rddreg [dreg:$0x11];
	[sflag:s18] =	ssyncadd.s32 $0xFFFFE800  }
0x1c7: {  	[spmem:s3] =	stream.indirect.scatter.add.bf16 [tilespmem:s16], [sflag:$0x3], $0x30, s9, s15, $0xb8;
	[tilespmem:$0x13100] =	vst v63  }
0x1c8: {  	_ =	swait.ge [sflag:s11], $0x1800  }
0x1c9: {  	[sflag:s11] =	ssyncset.done $0x0  }
0x1ca: {  	s10 =	rddreg [dreg:$0x12];
	[sflag:s11] =	ssyncadd.s32 $0xFFFFE800  }
0x1cb: {  	[tilespmem:s16], [sflag:$0x1] =	stream.indirect.gather [spmem:s2], $0x30, s10, s15, $0xb8;
	[tilespmem:$0x13100] =	vst v63  }
0x1cc: {  	_ =	swait.ge [sflag:s19], $0x1800  }
0x1cd: {  	[sflag:s19] =	ssyncset.done $0x0  }
0x1ce: {  	s12 =	rddreg [dreg:$0x13];
	[sflag:s19] =	ssyncadd.s32 $0xFFFFE800  }
0x1cf: {  	[spmem:s3] =	stream.indirect.scatter.add.bf16 [tilespmem:s17], [sflag:$0x3], $0x30, s12, s15, $0xb8;
	[tilespmem:$0x13100] =	vst v63  }
0x1d0: {  	_ =	swait.ge [sflag:s11], $0x1800  }
0x1d1: {  	[sflag:s11] =	ssyncset.done $0x0  }
0x1d2: {  	s9 =	rddreg [dreg:$0x14];
	[sflag:s11] =	ssyncadd.s32 $0xFFFFE800  }
0x1d3: {  	[tilespmem:s17], [sflag:$0x2] =	stream.indirect.gather [spmem:s2], $0x30, s9, s15, $0xb8;
	[tilespmem:$0x13100] =	vst v63  }
0x1d4: {  	_ =	swait.ge [sflag:s18], $0x1800  }
0x1d5: {  	[sflag:s18] =	ssyncset.done $0x0  }
0x1d6: {  	s10 =	rddreg [dreg:$0x15];
	[sflag:s18] =	ssyncadd.s32 $0xFFFFE800  }
0x1d7: {  	[spmem:s3] =	stream.indirect.scatter.add.bf16 [tilespmem:s16], [sflag:$0x3], $0x30, s10, s15, $0xb8;
	[tilespmem:$0x13100] =	vst v63  }
0x1d8: {  	_ =	swait.ge [sflag:s11], $0x1800  }
0x1d9: {  	[sflag:s11] =	ssyncset.done $0x0  }
0x1da: {  	s12 =	rddreg [dreg:$0x16];
	[sflag:s11] =	ssyncadd.s32 $0xFFFFE800  }
0x1db: {  	[tilespmem:s16], [sflag:$0x1] =	stream.indirect.gather [spmem:s2], $0x30, s12, s15, $0xb8;
	[tilespmem:$0x13100] =	vst v63  }
0x1dc: {  	_ =	swait.ge [sflag:s19], $0x1800  }
0x1dd: {  	[sflag:s19] =	ssyncset.done $0x0  }
0x1de: {  	s9 =	rddreg [dreg:$0x17];
	[sflag:s19] =	ssyncadd.s32 $0xFFFFE800  }
0x1df: {  	[spmem:s3] =	stream.indirect.scatter.add.bf16 [tilespmem:s17], [sflag:$0x3], $0x30, s9, s15, $0xb8;
	[tilespmem:$0x13100] =	vst v63  }
0x1e0: {  	_ =	swait.ge [sflag:s11], $0x1800  }
0x1e1: {  	[sflag:s11] =	ssyncset.done $0x0  }
0x1e2: {  	s10 =	rddreg [dreg:$0x18];
	[sflag:s11] =	ssyncadd.s32 $0xFFFFE800  }
0x1e3: {  	[tilespmem:s17], [sflag:$0x2] =	stream.indirect.gather [spmem:s2], $0x30, s10, s15, $0xb8;
	[tilespmem:$0x13100] =	vst v63  }
0x1e4: {  	_ =	swait.ge [sflag:s18], $0x1800  }
0x1e5: {  	[sflag:s18] =	ssyncset.done $0x0  }
0x1e6: {  	s12 =	rddreg [dreg:$0x19];
	[sflag:s18] =	ssyncadd.s32 $0xFFFFE800  }
0x1e7: {  	[spmem:s3] =	stream.indirect.scatter.add.bf16 [tilespmem:s16], [sflag:$0x3], $0x30, s12, s15, $0xb8;
	[tilespmem:$0x13100] =	vst v63  }
0x1e8: {  	_ =	swait.ge [sflag:s11], $0x1800  }
0x1e9: {  	[sflag:s11] =	ssyncset.done $0x0  }
0x1ea: {  	s9 =	rddreg [dreg:$0x1a];
	[sflag:s11] =	ssyncadd.s32 $0xFFFFE800  }
0x1eb: {  	[tilespmem:s16], [sflag:$0x1] =	stream.indirect.gather [spmem:s2], $0x30, s9, s15, $0xb8;
	[tilespmem:$0x13100] =	vst v63  }
0x1ec: {  	_ =	swait.ge [sflag:s19], $0x1800  }
0x1ed: {  	[sflag:s19] =	ssyncset.done $0x0  }
0x1ee: {  	[sflag:s19] =	ssyncadd.s32 $0xFFFFE800  }
0x1ef: {  	[spmem:s3] =	stream.indirect.scatter.add.bf16 [tilespmem:s17], [sflag:$0x3], $0x30, s20, s15, $0xb8;
	[tilespmem:$0x13100] =	vst v63  }
0x1f0: {  	_ =	swait.ge [sflag:s11], $0x1800  }
0x1f1: {  	[sflag:s11] =	ssyncset.done $0x0  }
0x1f2: {  	[sflag:s11] =	ssyncadd.s32 $0xFFFFE800  }
0x1f3: {  	[tilespmem:s17], [sflag:$0x2] =	stream.indirect.gather [spmem:s2], $0x30, s21, s15, $0xb8;
	[tilespmem:$0x13100] =	vst v63  }
0x1f4: {  	_ =	swait.ge [sflag:s18], $0x1800  }
0x1f5: {  	[sflag:s18] =	ssyncset.done $0x0  }
0x1f6: {  	[sflag:s18] =	ssyncadd.s32 $0xFFFFE800  }
0x1f7: {  	[spmem:s3] =	stream.indirect.scatter.add.bf16 [tilespmem:s16], [sflag:$0x3], $0x30, s22, s15, $0xb8;
	[tilespmem:$0x13100] =	vst v63  }
0x1f8: {  	_ =	swait.ge [sflag:s11], $0x1800  }
0x1f9: {  	[sflag:s11] =	ssyncset.done $0x0  }
0x1fa: {  	[sflag:s11] =	ssyncadd.s32 $0xFFFFE800  }
0x1fb: {  	[tilespmem:s16], [sflag:$0x1] =	stream.indirect.gather [spmem:s2], $0x30, s23, s15, $0xb8;
	[tilespmem:$0x13100] =	vst v63  }
0x1fc: {  	_ =	swait.ge [sflag:s19], $0x1800  }
0x1fd: {  	[sflag:s19] =	ssyncset.done $0x0  }
0x1fe: {  	[sflag:s19] =	ssyncadd.s32 $0xFFFFE800  }
0x1ff: {  	[spmem:s3] =	stream.indirect.scatter.add.bf16 [tilespmem:s17], [sflag:$0x3], $0x30, s24, s15, $0xb8;
	[tilespmem:$0x13100] =	vst v63  }
0x200: {  	_ =	swait.ge [sflag:s11], $0x1800  }
0x201: {  	[sflag:s11] =	ssyncset.done $0x0  }
0x202: {  	[sflag:s11] =	ssyncadd.s32 $0xFFFFE800  }
0x203: {  	[tilespmem:s17], [sflag:$0x2] =	stream.indirect.gather [spmem:s2], $0x30, s25, s15, $0xb8;
	[tilespmem:$0x13100] =	vst v63  }
0x204: {  	_ =	swait.ge [sflag:s18], $0x1800  }
0x205: {  	[sflag:s18] =	ssyncset.done $0x0  }
0x206: {  	[sflag:s18] =	ssyncadd.s32 $0xFFFFE800  }
0x207: {  	[spmem:s3] =	stream.indirect.scatter.add.bf16 [tilespmem:s16], [sflag:$0x3], $0x30, s26, s15, $0xb8;
	[tilespmem:$0x13100] =	vst v63  }
0x208: {  	_ =	swait.ge [sflag:s11], $0x1800  }
0x209: {  	[sflag:s11] =	ssyncset.done $0x0  }
0x20a: {  	[sflag:s11] =	ssyncadd.s32 $0xFFFFE800  }
0x20b: {  	[tilespmem:s16], [sflag:$0x1] =	stream.indirect.gather [spmem:s2], $0x30, s28, s15, $0xb8;
	[tilespmem:$0x13100] =	vst v63  }
0x20c: {  	_ =	swait.ge [sflag:s19], $0x1800  }
0x20d: {  	[sflag:s19] =	ssyncset.done $0x0  }
0x20e: {  	[sflag:s19] =	ssyncadd.s32 $0xFFFFE800  }
0x20f: {  	[spmem:s3] =	stream.indirect.scatter.add.bf16 [tilespmem:s17], [sflag:$0x3], $0x30, s29, s15, $0xb8;
	[tilespmem:$0x13100] =	vst v63  }
0x210: {  	_ =	swait.ge [sflag:s11], $0x1800  }
0x211: {  	[sflag:s11] =	ssyncset.done $0x0  }
0x212: {  	[sflag:s11] =	ssyncadd.s32 $0xFFFFE800  }
0x213: {  	[tilespmem:s17], [sflag:$0x2] =	stream.indirect.gather [spmem:s2], $0x30, s30, s15, $0xb8;
	[tilespmem:$0x13100] =	vst v63  }
0x214: {  	_ =	swait.ge [sflag:s18], $0x1800  }
0x215: {  	[sflag:s18] =	ssyncset.done $0x0  }
0x216: {  	[sflag:s18] =	ssyncadd.s32 $0xFFFFE800  }
0x217: {  	[spmem:s3] =	stream.indirect.scatter.add.bf16 [tilespmem:s16], [sflag:$0x3], $0x30, s31, s15, $0xb8;
	[tilespmem:$0x13100] =	vst v63  }
0x218: {  	_ =	swait.ge [sflag:s11], $0x1800  }
0x219: {  	[sflag:s11] =	ssyncset.done $0x0  }
0x21a: {  	[sflag:s11] =	ssyncadd.s32 $0xFFFFE800  }
0x21b: {  	[tilespmem:s16], [sflag:$0x1] =	stream.indirect.gather [spmem:s2], $0x30, s0, s15, $0xb8;
	[tilespmem:$0x13100] =	vst v63  }
0x21c: {  	_ =	swait.ge [sflag:s19], $0x1800  }
0x21d: {  	[sflag:s19] =	ssyncset.done $0x0  }
0x21e: {  	[sflag:s19] =	ssyncadd.s32 $0xFFFFE800  }
0x21f: {  	[spmem:s3] =	stream.indirect.scatter.add.bf16 [tilespmem:s17], [sflag:$0x3], $0x30, s1, s15, $0xb8;
	[tilespmem:$0x13100] =	vst v63  }
0x220: {  	_ =	swait.ge [sflag:s11], $0x1800  }
0x221: {  	[sflag:s11] =	ssyncset.done $0x0  }
0x222: {  	[sflag:s11] =	ssyncadd.s32 $0xFFFFE800  }
0x223: {  	[tilespmem:s17], [sflag:$0x2] =	stream.indirect.gather [spmem:s2], $0x30, s5, s15, $0xb8;
	[tilespmem:$0x13100] =	vst v63  }
0x224: {  	_ =	swait.ge [sflag:s18], $0x1800  }
0x225: {  	[sflag:s18] =	ssyncset.done $0x0  }
0x226: {  	[sflag:s18] =	ssyncadd.s32 $0xFFFFE800  }
0x227: {  	[spmem:s3] =	stream.indirect.scatter.add.bf16 [tilespmem:s16], [sflag:$0x3], $0x30, s6, s15, $0xb8;
	[tilespmem:$0x13100] =	vst v63  }
0x228: {  	_ =	swait.ge [sflag:s11], $0x1800  }
0x229: {  	[sflag:s11] =	ssyncset.done $0x0  }
0x22a: {  	[sflag:s11] =	ssyncadd.s32 $0xFFFFE800  }
0x22b: {  	_ =	swait.ge [sflag:s19], $0x1800  }
0x22c: {  	[sflag:s19] =	ssyncset.done $0x0  }
0x22d: {  	[sflag:s19] =	ssyncadd.s32 $0xFFFFE800  }
0x22e: {  	[spmem:s3] =	stream.indirect.scatter.add.bf16 [tilespmem:s17], [sflag:$0x3], $0x30, s7, s15, $0xb8;
	[tilespmem:$0x13100] =	vst v63  }
0x22f: {  	_ =	swait.ge [sflag:s11], $0x1800  }
0x230: {  	[sflag:s11] =	ssyncset.done $0x0  }
0x231: {  	[sflag:s11] =	ssyncadd.s32 $0xFFFFE800  }
0x232: {  	[bflag:$0x0] =	sbarrier.arrive $0xFFFF  }
0x233: {  	s12 =	sld [smem:$0x7FD]  }
0x234: {  	s10 =	rddreg [dreg:$0x1c]  }
0x235: {  	s9 =	rddreg [dreg:$0x1f]  }
0x236: {  	[hbm:s10], [sflag:s9] =	dma.local [spmem:s12], $0xED0  }
0x237: {  	_ =	swait.ge [sflag:s11], $0xED0  }
0x238: {  	s8 =	sld [smem:$0x7FB];
	_ =	sdelay $0x2  }
0x239: {  	s10 =	sadd.s32 $0x1, s8;
	s8 =	rddreg [dreg:$0x1d]  }
0x23a: {  	p0 =	sne.s32 s10, s8  }
.Ltmp1:
0x23b: {  	_ = 	snop;
	(pc) =	sbr.rel @p0 .LBB2_1-.Ltmp1, $3  }
0x23c: {  	_ =	sdelay $0x1  }
0x23d: {  	[sflag:s11] =	ssyncset.done $0x0  }
0x23e: {  	[sflag:s11] =	ssyncadd.s32 $0xFFFFF130  }
0x23f: {  	_ =	sfence.sel $0x180000  }
0x240: {  	[bflag:$0x0] =	sbarrier.arrive $0xFFFF  }
0x241: {  	_ =	strace $0x90000047  }
0x242: {  	s0 =	stileid.u32;
	[bflag:$0x2] =	sbarrier.arrive $0xFFFF  }
0x243: {  	p0 =	sne.s32 s0, $0x0;
	s0 =	rddreg [dreg:$0x3]  }
0x244: {  	s0 =	sadd.s32 @!p0 $0x100000, s0  }
0x245: {  	[sflag:s0] =	ssyncadd.tile.s32 @!p0 $0x1;
	_ =	shalt  }
.Lfunc_end2:
_tile_overlayer_lowered:
.L_overlay_start_2:
0x246: {  	(tag) =	ssettag $0x2  }
0x247: {  	s0 =	rddreg [dreg:$0x0];
	s2 =	stileid.u32  }
0x248: {  	s1 =	rddreg [dreg:$0x1];
	p0 =	sne.s32 s2, $0x0  }
0x249: {  	s3 =	rddreg [dreg:$0x2];
	[bflag:$0x3] =	sbarrier.arrive $0xFFFF;
	s2 =	simm.s32 @!p0 $0x1C03  }
0x24a: {  	[timem:s3], [sflag:s2] =	dma.local @!p0 [hbm:s0], s1  }
0x24b: {  	s0 =	simm.s32 @!p0 $0x3  }
0x24c: {  	_ =	swait.ge @!p0 [sflag:s0], s1  }
0x24d: {  	s1 =	ssub.s32 @!p0 $0x0, s1;
	[sflag:s0] =	ssyncset.done @!p0 $0x0  }
0x24e: {  	[sflag:s0] =	ssyncadd.s32 @!p0 s1  }
0x24f: {  	[bflag:$0x3] =	sbarrier.arrive $0xFFFF  }
0x250: {  	_ =	shalt  }

</sc_bundles>
